<compile_context>
chip_gen: v7x
topology: tpu7x:2x2x1
jax: 0.10.2.dev20260603
libtpu: 0.0.44.dev20260713+nightly
codegen_flags: <defaults>
</compile_context>

<pallas_src>
import functools

import jax
import jax.numpy as jnp
from jax import lax
from jax.experimental import pallas as pl
from jax.experimental.pallas import tpu as pltpu
from jax.experimental.pallas import tpu_sc as plsc

C, H, W = 768, 32, 32
HW = H * W
B = 64

try:
    _info = plsc.get_sparse_core_info()
    _NC, _NS = _info.num_cores, _info.num_subcores
except Exception:
    _NC, _NS = 2, 16
_NW = _NC * _NS
_ROWS_PER_W = HW // _NW


def _sc_gather(table, idx):
    mesh = plsc.VectorSubcoreMesh(core_axis_name="c", subcore_axis_name="s")

    @functools.partial(
        pl.kernel,
        mesh=mesh,
        out_type=jax.ShapeDtypeStruct((HW, C), jnp.float32),
        scratch_types=[
            pltpu.VMEM((_ROWS_PER_W,), jnp.int32),
            pltpu.VMEM((_ROWS_PER_W, C), jnp.float32),
            pltpu.SemaphoreType.DMA,
        ],
    )
    def k(table_hbm, idx_hbm, out_hbm, idx_v, rows_v, sem):
        wid = lax.axis_index("s") * _NC + lax.axis_index("c")
        base = wid * _ROWS_PER_W
        pltpu.sync_copy(idx_hbm.at[pl.ds(base, _ROWS_PER_W)], idx_v)
        pltpu.async_copy(table_hbm.at[idx_v], rows_v, sem).wait()
        pltpu.sync_copy(rows_v, out_hbm.at[pl.ds(base, _ROWS_PER_W)])

    return k(table, idx)


_NBUF = 8
_NCHUNK = 2
_CHW = HW // _NCHUNK
_NSTEP = B * _NCHUNK


def _add_body(x_hbm, pe_hbm, o_hbm, *scratch):
    inbs = scratch[:_NBUF]
    outbs = scratch[_NBUF:2 * _NBUF]
    peb = scratch[2 * _NBUF]
    insems = scratch[2 * _NBUF + 1:3 * _NBUF + 1]
    outsems = scratch[3 * _NBUF + 1:4 * _NBUF + 1]
    pesem = scratch[4 * _NBUF + 1]
    pe_cp = pltpu.make_async_copy(pe_hbm, peb, pesem)
    pe_cp.start()
    for j in range(_NBUF):
        pltpu.make_async_copy(x_hbm.at[j], inbs[j], insems[j]).start()
    pe_cp.wait()

    def outer(i, carry):
        for j in range(_NBUF):
            q = i * _NBUF + j
            pltpu.make_async_copy(x_hbm.at[q], inbs[j], insems[j]).wait()

            @pl.when(i > 0)
            def _wait_flush():
                pltpu.make_async_copy(outbs[j], o_hbm.at[q], outsems[j]).wait()

            half = (j % _NCHUNK) * _CHW
            outbs[j][:, :] = inbs[j][:, :] + peb[pl.ds(half, _CHW), :]
            pltpu.make_async_copy(outbs[j], o_hbm.at[q], outsems[j]).start()
            nq = q + _NBUF

            @pl.when(nq < _NSTEP)
            def _fetch_next():
                pltpu.make_async_copy(x_hbm.at[nq], inbs[j], insems[j]).start()

        return carry

    jax.lax.fori_loop(0, _NSTEP // _NBUF, outer, 0)
    for j in range(_NBUF):
        pltpu.make_async_copy(outbs[j], o_hbm.at[_NSTEP - _NBUF + j], outsems[j]).wait()


def _tc_add(x3, pe2):
    return pl.pallas_call(
        _add_body,
        in_specs=[
            pl.BlockSpec(memory_space=pl.ANY),
            pl.BlockSpec(memory_space=pl.ANY),
        ],
        out_specs=pl.BlockSpec(memory_space=pl.ANY),
        out_shape=jax.ShapeDtypeStruct((_NSTEP, _CHW, C), jnp.float32),
        scratch_shapes=(
            [pltpu.VMEM((_CHW, C), jnp.float32)] * (2 * _NBUF)
            + [pltpu.VMEM((HW, C), jnp.float32)]
            + [pltpu.SemaphoreType.DMA] * (2 * _NBUF + 1)
        ),
        compiler_params=pltpu.CompilerParams(
            vmem_limit_bytes=100 * 1024 * 1024,
        ),
    )(x3, pe2)


def kernel(x, table, position_ids):
    idx = position_ids.astype(jnp.int32)
    pe = _sc_gather(table, idx)
    pe_t = pe.reshape(C, HW).T
    x4 = x.transpose(0, 2, 3, 1).reshape(_NSTEP, _CHW, C)
    out4 = _tc_add(x4, pe_t)
    return out4.reshape(B, H, W, C).transpose(0, 3, 1, 2)

# --- scband reference (transcript-rebuilt; emitter-appended) ---
"""Pipeline reference for scband-positional-encoding-27839978013161 (READ-ONLY COPY).

The authoritative reference and input builder live on the scoring server;
editing this copy changes nothing except your own understanding.
"""

import jax, jax.numpy as jnp
import numpy as np

C, H, W = 768, 32, 32
B = 64

def setup_inputs(seed: int = 0) -> dict:
    key = jax.random.key(seed)
    k1, k2 = jax.random.split(key)
    x = jax.random.normal(k1, (B, C, H, W), dtype=jnp.float32)
    # nn.Embedding(H*W, C) weight, normal init like torch default
    table = jax.random.normal(k2, (H * W, C), dtype=jnp.float32)
    position_ids = jnp.arange(H * W, dtype=jnp.int64)
    return {"x": x, "table": table, "position_ids": position_ids}

def reference(x, table, position_ids):
    # pos_embed = embedding(position_ids) -> [H*W, C]
    pos_embed = jnp.take(table, position_ids, axis=0)
    # .view(1, C, H, W): raw reinterpretation of the [H*W, C] buffer
    pos_embed = pos_embed.reshape(1, C, H, W)
    # expand to batch and add (broadcast)
    return x + pos_embed

if __name__ == "__main__":
    import jax
    _d = setup_inputs()
    print(jax.jit(kernel)(*tuple(_d.values())))

</pallas_src>

<mosaic_0001>
#map = affine_map<(d0, d1) -> (0, 0)>
#map1 = affine_map<(d0, d1) -> (0)>
module attributes {stable_mosaic.version = 14 : i64} {
  func.func @k(%arg0: i32, %arg1: i32, %arg2: memref<1024x768xf32, #tpu.memory_space<hbm>>, %arg3: memref<1024xi32, #tpu.memory_space<hbm>>, %arg4: memref<1024x768xf32, #tpu.memory_space<hbm>>, %arg5: memref<32xi32, #tpu.memory_space<vmem>>, %arg6: memref<32x768xf32, #tpu.memory_space<vmem>>, %arg7: memref<!tpu.dma_semaphore, #tpu.memory_space<semaphore_mem>>) attributes {dimension_semantics = [#tpu.dimension_semantics<core_parallel>, #tpu.dimension_semantics<subcore_parallel>], iteration_bounds = array<i64: 2, 16>, scalar_prefetch = 0 : i64, scratch_operands = 3 : i64, tpu.core_type = #tpu.core_type<sc_vector_subcore>, window_params = [{transform_indices = #map}, {transform_indices = #map1}, {transform_indices = #map}]} {
    %mul3A = arith.constant 2 : i32
    %mul3A_0 = arith.muli %arg1, %mul3A : i32
    %add3A = arith.addi %mul3A_0, %arg0 : i32
    %mul3A_1 = arith.constant 32 : i32
    %mul3A_2 = arith.muli %add3A, %mul3A_1 : i32
    "tpu.region"() ({
      %run_scoped3A = tpu.sem_alloc : memref<!tpu.dma_semaphore, #tpu.memory_space<semaphore_mem>>
      %dma_start3A_7 = tpu.memref_slice %arg3[%mul3A_2] : memref<1024xi32, #tpu.memory_space<hbm>> -> memref<32xi32, #tpu.memory_space<hbm>>
      %dma_start3A_8 = tpu.memref_slice %arg3[%mul3A_2] : memref<1024xi32, #tpu.memory_space<hbm>> -> memref<32xi32, #tpu.memory_space<hbm>>
      tpu.enqueue_dma source(%dma_start3A_8 : memref<32xi32, #tpu.memory_space<hbm>>) target(%arg5 : memref<32xi32, #tpu.memory_space<vmem>>) target_semaphore(%run_scoped3A : memref<!tpu.dma_semaphore, #tpu.memory_space<semaphore_mem>>)
      %dma_wait3A_9 = tpu.memref_slice %arg3[%mul3A_2] : memref<1024xi32, #tpu.memory_space<hbm>> -> memref<32xi32, #tpu.memory_space<hbm>>
      %dma_wait3A_10 = tpu.memref_slice %arg3[%mul3A_2] : memref<1024xi32, #tpu.memory_space<hbm>> -> memref<32xi32, #tpu.memory_space<hbm>>
      tpu.wait_dma2 semaphore(%run_scoped3A : memref<!tpu.dma_semaphore, #tpu.memory_space<semaphore_mem>>) src(%dma_wait3A_10 : memref<32xi32, #tpu.memory_space<hbm>>) dst(%arg5 : memref<32xi32, #tpu.memory_space<vmem>>)
      tpu.yield
    }) : () -> ()
    %dma_start3A = arith.constant 0 : i32
    %dma_start3A_3 = arith.constant 0 : i32
    %dma_start3A_4 = tpu.memref_slice %arg2[%dma_start3A, %dma_start3A_3] : memref<1024x768xf32, #tpu.memory_space<hbm>> -> memref<1024x768xf32, #tpu.memory_space<hbm>>
    tpu.enqueue_indirect_dma source(%dma_start3A_4 : memref<1024x768xf32, #tpu.memory_space<hbm>>) target(%arg6 : memref<32x768xf32, #tpu.memory_space<vmem>>) offsets(%arg5 : memref<32xi32, #tpu.memory_space<vmem>>) semaphore(%arg7 : memref<!tpu.dma_semaphore, #tpu.memory_space<semaphore_mem>>)
    %dma_wait3A = arith.constant 0 : i32
    %dma_wait3A_5 = arith.constant 0 : i32
    %dma_wait3A_6 = tpu.memref_slice %arg2[%dma_wait3A, %dma_wait3A_5] : memref<1024x768xf32, #tpu.memory_space<hbm>> -> memref<1024x768xf32, #tpu.memory_space<hbm>>
    tpu.wait_indirect_dma semaphore(%arg7 : memref<!tpu.dma_semaphore, #tpu.memory_space<semaphore_mem>>) src(%dma_wait3A_6 : memref<1024x768xf32, #tpu.memory_space<hbm>>) dst(%arg6 : memref<32x768xf32, #tpu.memory_space<vmem>>)
    "tpu.region"() ({
      %run_scoped3A = tpu.sem_alloc : memref<!tpu.dma_semaphore, #tpu.memory_space<semaphore_mem>>
      %dma_start3A_7 = arith.constant 0 : i32
      %dma_start3A_8 = tpu.memref_slice %arg4[%mul3A_2, %dma_start3A_7] : memref<1024x768xf32, #tpu.memory_space<hbm>> -> memref<32x768xf32, #tpu.memory_space<hbm>>
      %dma_start3A_9 = arith.constant 0 : i32
      %dma_start3A_10 = tpu.memref_slice %arg4[%mul3A_2, %dma_start3A_9] : memref<1024x768xf32, #tpu.memory_space<hbm>> -> memref<32x768xf32, #tpu.memory_space<hbm>>
      tpu.enqueue_dma source(%arg6 : memref<32x768xf32, #tpu.memory_space<vmem>>) target(%dma_start3A_10 : memref<32x768xf32, #tpu.memory_space<hbm>>) target_semaphore(%run_scoped3A : memref<!tpu.dma_semaphore, #tpu.memory_space<semaphore_mem>>)
      %dma_wait3A_11 = arith.constant 0 : i32
      %dma_wait3A_12 = tpu.memref_slice %arg4[%mul3A_2, %dma_wait3A_11] : memref<1024x768xf32, #tpu.memory_space<hbm>> -> memref<32x768xf32, #tpu.memory_space<hbm>>
      %dma_wait3A_13 = arith.constant 0 : i32
      %dma_wait3A_14 = tpu.memref_slice %arg4[%mul3A_2, %dma_wait3A_13] : memref<1024x768xf32, #tpu.memory_space<hbm>> -> memref<32x768xf32, #tpu.memory_space<hbm>>
      tpu.wait_dma2 semaphore(%run_scoped3A : memref<!tpu.dma_semaphore, #tpu.memory_space<semaphore_mem>>) src(%arg6 : memref<32x768xf32, #tpu.memory_space<vmem>>) dst(%dma_wait3A_14 : memref<32x768xf32, #tpu.memory_space<hbm>>)
      tpu.yield
    }) : () -> ()
    return
  }
}

module attributes {stable_mosaic.version = 14 : i64} {
  func.func @_add_body(%arg0: memref<128x512x768xf32, #tpu.memory_space<any>>, %arg1: memref<1024x768xf32, #tpu.memory_space<any>>, %arg2: memref<128x512x768xf32, #tpu.memory_space<any>>, %arg3: memref<512x768xf32, #tpu.memory_space<vmem>>, %arg4: memref<512x768xf32, #tpu.memory_space<vmem>>, %arg5: memref<512x768xf32, #tpu.memory_space<vmem>>, %arg6: memref<512x768xf32, #tpu.memory_space<vmem>>, %arg7: memref<512x768xf32, #tpu.memory_space<vmem>>, %arg8: memref<512x768xf32, #tpu.memory_space<vmem>>, %arg9: memref<512x768xf32, #tpu.memory_space<vmem>>, %arg10: memref<512x768xf32, #tpu.memory_space<vmem>>, %arg11: memref<512x768xf32, #tpu.memory_space<vmem>>, %arg12: memref<512x768xf32, #tpu.memory_space<vmem>>, %arg13: memref<512x768xf32, #tpu.memory_space<vmem>>, %arg14: memref<512x768xf32, #tpu.memory_space<vmem>>, %arg15: memref<512x768xf32, #tpu.memory_space<vmem>>, %arg16: memref<512x768xf32, #tpu.memory_space<vmem>>, %arg17: memref<512x768xf32, #tpu.memory_space<vmem>>, %arg18: memref<512x768xf32, #tpu.memory_space<vmem>>, %arg19: memref<1024x768xf32, #tpu.memory_space<vmem>>, %arg20: memref<!tpu.dma_semaphore, #tpu.memory_space<semaphore_mem>>, %arg21: memref<!tpu.dma_semaphore, #tpu.memory_space<semaphore_mem>>, %arg22: memref<!tpu.dma_semaphore, #tpu.memory_space<semaphore_mem>>, %arg23: memref<!tpu.dma_semaphore, #tpu.memory_space<semaphore_mem>>, %arg24: memref<!tpu.dma_semaphore, #tpu.memory_space<semaphore_mem>>, %arg25: memref<!tpu.dma_semaphore, #tpu.memory_space<semaphore_mem>>, %arg26: memref<!tpu.dma_semaphore, #tpu.memory_space<semaphore_mem>>, %arg27: memref<!tpu.dma_semaphore, #tpu.memory_space<semaphore_mem>>, %arg28: memref<!tpu.dma_semaphore, #tpu.memory_space<semaphore_mem>>, %arg29: memref<!tpu.dma_semaphore, #tpu.memory_space<semaphore_mem>>, %arg30: memref<!tpu.dma_semaphore, #tpu.memory_space<semaphore_mem>>, %arg31: memref<!tpu.dma_semaphore, #tpu.memory_space<semaphore_mem>>, %arg32: memref<!tpu.dma_semaphore, #tpu.memory_space<semaphore_mem>>, %arg33: memref<!tpu.dma_semaphore, #tpu.memory_space<semaphore_mem>>, %arg34: memref<!tpu.dma_semaphore, #tpu.memory_space<semaphore_mem>>, %arg35: memref<!tpu.dma_semaphore, #tpu.memory_space<semaphore_mem>>, %arg36: memref<!tpu.dma_semaphore, #tpu.memory_space<semaphore_mem>>) attributes {dimension_semantics = [], scalar_prefetch = 0 : i64, scratch_operands = 34 : i64, tpu.core_type = #tpu.core_type<tc>} {
    tpu.enqueue_dma source(%arg1 : memref<1024x768xf32, #tpu.memory_space<any>>) target(%arg19 : memref<1024x768xf32, #tpu.memory_space<vmem>>) target_semaphore(%arg36 : memref<!tpu.dma_semaphore, #tpu.memory_space<semaphore_mem>>)
    %dma_start3A = arith.constant 0 : i32
    %dma_start3A_0 = arith.constant 0 : i32
    %dma_start3A_1 = arith.constant 0 : i32
    %dma_start3A_2 = tpu.memref_slice %arg0[%dma_start3A, %dma_start3A_0, %dma_start3A_1] : memref<128x512x768xf32, #tpu.memory_space<any>> -> memref<1x512x768xf32, #tpu.memory_space<any>>
    %dma_start3A_3 = tpu.memref_squeeze %dma_start3A_2 : memref<1x512x768xf32, #tpu.memory_space<any>> -> memref<512x768xf32, #tpu.memory_space<any>>
    tpu.enqueue_dma source(%dma_start3A_3 : memref<512x768xf32, #tpu.memory_space<any>>) target(%arg3 : memref<512x768xf32, #tpu.memory_space<vmem>>) target_semaphore(%arg20 : memref<!tpu.dma_semaphore, #tpu.memory_space<semaphore_mem>>)
    %dma_start3A_4 = arith.constant 1 : i32
    %dma_start3A_5 = arith.constant 0 : i32
    %dma_start3A_6 = arith.constant 0 : i32
    %dma_start3A_7 = tpu.memref_slice %arg0[%dma_start3A_4, %dma_start3A_5, %dma_start3A_6] : memref<128x512x768xf32, #tpu.memory_space<any>> -> memref<1x512x768xf32, #tpu.memory_space<any>>
    %dma_start3A_8 = tpu.memref_squeeze %dma_start3A_7 : memref<1x512x768xf32, #tpu.memory_space<any>> -> memref<512x768xf32, #tpu.memory_space<any>>
    tpu.enqueue_dma source(%dma_start3A_8 : memref<512x768xf32, #tpu.memory_space<any>>) target(%arg4 : memref<512x768xf32, #tpu.memory_space<vmem>>) target_semaphore(%arg21 : memref<!tpu.dma_semaphore, #tpu.memory_space<semaphore_mem>>)
    %dma_start3A_9 = arith.constant 2 : i32
    %dma_start3A_10 = arith.constant 0 : i32
    %dma_start3A_11 = arith.constant 0 : i32
    %dma_start3A_12 = tpu.memref_slice %arg0[%dma_start3A_9, %dma_start3A_10, %dma_start3A_11] : memref<128x512x768xf32, #tpu.memory_space<any>> -> memref<1x512x768xf32, #tpu.memory_space<any>>
    %dma_start3A_13 = tpu.memref_squeeze %dma_start3A_12 : memref<1x512x768xf32, #tpu.memory_space<any>> -> memref<512x768xf32, #tpu.memory_space<any>>
    tpu.enqueue_dma source(%dma_start3A_13 : memref<512x768xf32, #tpu.memory_space<any>>) target(%arg5 : memref<512x768xf32, #tpu.memory_space<vmem>>) target_semaphore(%arg22 : memref<!tpu.dma_semaphore, #tpu.memory_space<semaphore_mem>>)
    %dma_start3A_14 = arith.constant 3 : i32
    %dma_start3A_15 = arith.constant 0 : i32
    %dma_start3A_16 = arith.constant 0 : i32
    %dma_start3A_17 = tpu.memref_slice %arg0[%dma_start3A_14, %dma_start3A_15, %dma_start3A_16] : memref<128x512x768xf32, #tpu.memory_space<any>> -> memref<1x512x768xf32, #tpu.memory_space<any>>
    %dma_start3A_18 = tpu.memref_squeeze %dma_start3A_17 : memref<1x512x768xf32, #tpu.memory_space<any>> -> memref<512x768xf32, #tpu.memory_space<any>>
    tpu.enqueue_dma source(%dma_start3A_18 : memref<512x768xf32, #tpu.memory_space<any>>) target(%arg6 : memref<512x768xf32, #tpu.memory_space<vmem>>) target_semaphore(%arg23 : memref<!tpu.dma_semaphore, #tpu.memory_space<semaphore_mem>>)
    %dma_start3A_19 = arith.constant 4 : i32
    %dma_start3A_20 = arith.constant 0 : i32
    %dma_start3A_21 = arith.constant 0 : i32
    %dma_start3A_22 = tpu.memref_slice %arg0[%dma_start3A_19, %dma_start3A_20, %dma_start3A_21] : memref<128x512x768xf32, #tpu.memory_space<any>> -> memref<1x512x768xf32, #tpu.memory_space<any>>
    %dma_start3A_23 = tpu.memref_squeeze %dma_start3A_22 : memref<1x512x768xf32, #tpu.memory_space<any>> -> memref<512x768xf32, #tpu.memory_space<any>>
    tpu.enqueue_dma source(%dma_start3A_23 : memref<512x768xf32, #tpu.memory_space<any>>) target(%arg7 : memref<512x768xf32, #tpu.memory_space<vmem>>) target_semaphore(%arg24 : memref<!tpu.dma_semaphore, #tpu.memory_space<semaphore_mem>>)
    %dma_start3A_24 = arith.constant 5 : i32
    %dma_start3A_25 = arith.constant 0 : i32
    %dma_start3A_26 = arith.constant 0 : i32
    %dma_start3A_27 = tpu.memref_slice %arg0[%dma_start3A_24, %dma_start3A_25, %dma_start3A_26] : memref<128x512x768xf32, #tpu.memory_space<any>> -> memref<1x512x768xf32, #tpu.memory_space<any>>
    %dma_start3A_28 = tpu.memref_squeeze %dma_start3A_27 : memref<1x512x768xf32, #tpu.memory_space<any>> -> memref<512x768xf32, #tpu.memory_space<any>>
    tpu.enqueue_dma source(%dma_start3A_28 : memref<512x768xf32, #tpu.memory_space<any>>) target(%arg8 : memref<512x768xf32, #tpu.memory_space<vmem>>) target_semaphore(%arg25 : memref<!tpu.dma_semaphore, #tpu.memory_space<semaphore_mem>>)
    %dma_start3A_29 = arith.constant 6 : i32
    %dma_start3A_30 = arith.constant 0 : i32
    %dma_start3A_31 = arith.constant 0 : i32
    %dma_start3A_32 = tpu.memref_slice %arg0[%dma_start3A_29, %dma_start3A_30, %dma_start3A_31] : memref<128x512x768xf32, #tpu.memory_space<any>> -> memref<1x512x768xf32, #tpu.memory_space<any>>
    %dma_start3A_33 = tpu.memref_squeeze %dma_start3A_32 : memref<1x512x768xf32, #tpu.memory_space<any>> -> memref<512x768xf32, #tpu.memory_space<any>>
    tpu.enqueue_dma source(%dma_start3A_33 : memref<512x768xf32, #tpu.memory_space<any>>) target(%arg9 : memref<512x768xf32, #tpu.memory_space<vmem>>) target_semaphore(%arg26 : memref<!tpu.dma_semaphore, #tpu.memory_space<semaphore_mem>>)
    %dma_start3A_34 = arith.constant 7 : i32
    %dma_start3A_35 = arith.constant 0 : i32
    %dma_start3A_36 = arith.constant 0 : i32
    %dma_start3A_37 = tpu.memref_slice %arg0[%dma_start3A_34, %dma_start3A_35, %dma_start3A_36] : memref<128x512x768xf32, #tpu.memory_space<any>> -> memref<1x512x768xf32, #tpu.memory_space<any>>
    %dma_start3A_38 = tpu.memref_squeeze %dma_start3A_37 : memref<1x512x768xf32, #tpu.memory_space<any>> -> memref<512x768xf32, #tpu.memory_space<any>>
    tpu.enqueue_dma source(%dma_start3A_38 : memref<512x768xf32, #tpu.memory_space<any>>) target(%arg10 : memref<512x768xf32, #tpu.memory_space<vmem>>) target_semaphore(%arg27 : memref<!tpu.dma_semaphore, #tpu.memory_space<semaphore_mem>>)
    tpu.wait_dma2 semaphore(%arg36 : memref<!tpu.dma_semaphore, #tpu.memory_space<semaphore_mem>>) src(%arg1 : memref<1024x768xf32, #tpu.memory_space<any>>) dst(%arg19 : memref<1024x768xf32, #tpu.memory_space<vmem>>)
    %scan3A = arith.constant 0 : i32
    %scan3A_39 = arith.constant 16 : i32
    %scan3A_40 = arith.addi %scan3A, %scan3A_39 : i32
    %scan3A_41 = arith.constant 1 : i32
    scf.for %scan3A_82 = %scan3A to %scan3A_40 step %scan3A_41  : i32 {
      %mul3A = arith.constant 8 : i32
      %mul3A_83 = arith.muli %scan3A_82, %mul3A : i32
      %add3A = arith.constant 0 : i32
      %add3A_84 = arith.addi %mul3A_83, %add3A : i32
      %dma_wait3A_85 = arith.constant 0 : i32
      %dma_wait3A_86 = arith.constant 0 : i32
      %dma_wait3A_87 = tpu.memref_slice %arg0[%add3A_84, %dma_wait3A_85, %dma_wait3A_86] : memref<128x512x768xf32, #tpu.memory_space<any>> -> memref<1x512x768xf32, #tpu.memory_space<any>>
      %dma_wait3A_88 = tpu.memref_squeeze %dma_wait3A_87 : memref<1x512x768xf32, #tpu.memory_space<any>> -> memref<512x768xf32, #tpu.memory_space<any>>
      tpu.wait_dma2 semaphore(%arg20 : memref<!tpu.dma_semaphore, #tpu.memory_space<semaphore_mem>>) src(%dma_wait3A_88 : memref<512x768xf32, #tpu.memory_space<any>>) dst(%arg3 : memref<512x768xf32, #tpu.memory_space<vmem>>)
      %gt3A = arith.constant 0 : i32
      %gt3A_89 = arith.cmpi sgt, %scan3A_82, %gt3A : i32
      %convert_element_type3A = arith.extui %gt3A_89 : i1 to i32
      %cond3A = arith.constant 0 : i32
      %cond3A_90 = arith.cmpi ne, %convert_element_type3A, %cond3A : i32
      scf.if %cond3A_90 {
        %dma_wait3A_347 = arith.constant 0 : i32
        %dma_wait3A_348 = arith.constant 0 : i32
        %dma_wait3A_349 = tpu.memref_slice %arg2[%add3A_84, %dma_wait3A_347, %dma_wait3A_348] : memref<128x512x768xf32, #tpu.memory_space<any>> -> memref<1x512x768xf32, #tpu.memory_space<any>>
        %dma_wait3A_350 = tpu.memref_squeeze %dma_wait3A_349 : memref<1x512x768xf32, #tpu.memory_space<any>> -> memref<512x768xf32, #tpu.memory_space<any>>
        tpu.wait_dma2 semaphore(%arg28 : memref<!tpu.dma_semaphore, #tpu.memory_space<semaphore_mem>>) src(%arg11 : memref<512x768xf32, #tpu.memory_space<vmem>>) dst(%dma_wait3A_350 : memref<512x768xf32, #tpu.memory_space<any>>)
      } else {
      }
      %get3A = arith.constant 0 : index
      %get3A_91 = arith.constant 0 : index
      %get3A_92 = vector.load %arg3[%get3A, %get3A_91] : memref<512x768xf32, #tpu.memory_space<vmem>>, vector<512x768xf32>
      %get3A_93 = arith.constant 0 : index
      %get3A_94 = arith.constant 0 : index
      %get3A_95 = vector.load %arg19[%get3A_93, %get3A_94] : memref<1024x768xf32, #tpu.memory_space<vmem>>, vector<512x768xf32>
      %add3A_96 = arith.addf %get3A_92, %get3A_95 : vector<512x768xf32>
      %swap3A = arith.constant 0 : index
      %swap3A_97 = arith.constant 0 : index
      %swap3A_98 = vector.load %arg11[%swap3A, %swap3A_97] : memref<512x768xf32, #tpu.memory_space<vmem>>, vector<512x768xf32>
      tpu.vector_store %arg11[%swap3A, %swap3A_97], %add3A_96 {strides = array<i32>} : memref<512x768xf32, #tpu.memory_space<vmem>>, vector<512x768xf32>,
      %dma_start3A_99 = arith.constant 0 : i32
      %dma_start3A_100 = arith.constant 0 : i32
      %dma_start3A_101 = tpu.memref_slice %arg2[%add3A_84, %dma_start3A_99, %dma_start3A_100] : memref<128x512x768xf32, #tpu.memory_space<any>> -> memref<1x512x768xf32, #tpu.memory_space<any>>
      %dma_start3A_102 = tpu.memref_squeeze %dma_start3A_101 : memref<1x512x768xf32, #tpu.memory_space<any>> -> memref<512x768xf32, #tpu.memory_space<any>>
      tpu.enqueue_dma source(%arg11 : memref<512x768xf32, #tpu.memory_space<vmem>>) target(%dma_start3A_102 : memref<512x768xf32, #tpu.memory_space<any>>) target_semaphore(%arg28 : memref<!tpu.dma_semaphore, #tpu.memory_space<semaphore_mem>>)
      %add3A_103 = arith.constant 8 : i32
      %add3A_104 = arith.addi %add3A_84, %add3A_103 : i32
      %lt3A = arith.constant 128 : i32
      %lt3A_105 = arith.cmpi slt, %add3A_104, %lt3A : i32
      %convert_element_type3A_106 = arith.extui %lt3A_105 : i1 to i32
      %cond3A_107 = arith.constant 0 : i32
      %cond3A_108 = arith.cmpi ne, %convert_element_type3A_106, %cond3A_107 : i32
      scf.if %cond3A_108 {
        %dma_start3A_347 = arith.constant 0 : i32
        %dma_start3A_348 = arith.constant 0 : i32
        %dma_start3A_349 = tpu.memref_slice %arg0[%add3A_104, %dma_start3A_347, %dma_start3A_348] : memref<128x512x768xf32, #tpu.memory_space<any>> -> memref<1x512x768xf32, #tpu.memory_space<any>>
        %dma_start3A_350 = tpu.memref_squeeze %dma_start3A_349 : memref<1x512x768xf32, #tpu.memory_space<any>> -> memref<512x768xf32, #tpu.memory_space<any>>
        tpu.enqueue_dma source(%dma_start3A_350 : memref<512x768xf32, #tpu.memory_space<any>>) target(%arg3 : memref<512x768xf32, #tpu.memory_space<vmem>>) target_semaphore(%arg20 : memref<!tpu.dma_semaphore, #tpu.memory_space<semaphore_mem>>)
      } else {
      }
      %mul3A_109 = arith.constant 8 : i32
      %mul3A_110 = arith.muli %scan3A_82, %mul3A_109 : i32
      %add3A_111 = arith.constant 1 : i32
      %add3A_112 = arith.addi %mul3A_110, %add3A_111 : i32
      %dma_wait3A_113 = arith.constant 0 : i32
      %dma_wait3A_114 = arith.constant 0 : i32
      %dma_wait3A_115 = tpu.memref_slice %arg0[%add3A_112, %dma_wait3A_113, %dma_wait3A_114] : memref<128x512x768xf32, #tpu.memory_space<any>> -> memref<1x512x768xf32, #tpu.memory_space<any>>
      %dma_wait3A_116 = tpu.memref_squeeze %dma_wait3A_115 : memref<1x512x768xf32, #tpu.memory_space<any>> -> memref<512x768xf32, #tpu.memory_space<any>>
      tpu.wait_dma2 semaphore(%arg21 : memref<!tpu.dma_semaphore, #tpu.memory_space<semaphore_mem>>) src(%dma_wait3A_116 : memref<512x768xf32, #tpu.memory_space<any>>) dst(%arg4 : memref<512x768xf32, #tpu.memory_space<vmem>>)
      %gt3A_117 = arith.constant 0 : i32
      %gt3A_118 = arith.cmpi sgt, %scan3A_82, %gt3A_117 : i32
      %convert_element_type3A_119 = arith.extui %gt3A_118 : i1 to i32
      %cond3A_120 = arith.constant 0 : i32
      %cond3A_121 = arith.cmpi ne, %convert_element_type3A_119, %cond3A_120 : i32
      scf.if %cond3A_121 {
        %dma_wait3A_347 = arith.constant 0 : i32
        %dma_wait3A_348 = arith.constant 0 : i32
        %dma_wait3A_349 = tpu.memref_slice %arg2[%add3A_112, %dma_wait3A_347, %dma_wait3A_348] : memref<128x512x768xf32, #tpu.memory_space<any>> -> memref<1x512x768xf32, #tpu.memory_space<any>>
        %dma_wait3A_350 = tpu.memref_squeeze %dma_wait3A_349 : memref<1x512x768xf32, #tpu.memory_space<any>> -> memref<512x768xf32, #tpu.memory_space<any>>
        tpu.wait_dma2 semaphore(%arg29 : memref<!tpu.dma_semaphore, #tpu.memory_space<semaphore_mem>>) src(%arg12 : memref<512x768xf32, #tpu.memory_space<vmem>>) dst(%dma_wait3A_350 : memref<512x768xf32, #tpu.memory_space<any>>)
      } else {
      }
      %get3A_122 = arith.constant 0 : index
      %get3A_123 = arith.constant 0 : index
      %get3A_124 = vector.load %arg4[%get3A_122, %get3A_123] : memref<512x768xf32, #tpu.memory_space<vmem>>, vector<512x768xf32>
      %get3A_125 = arith.constant 512 : index
      %get3A_126 = arith.constant 0 : index
      %get3A_127 = vector.load %arg19[%get3A_125, %get3A_126] : memref<1024x768xf32, #tpu.memory_space<vmem>>, vector<512x768xf32>
      %add3A_128 = arith.addf %get3A_124, %get3A_127 : vector<512x768xf32>
      %swap3A_129 = arith.constant 0 : index
      %swap3A_130 = arith.constant 0 : index
      %swap3A_131 = vector.load %arg12[%swap3A_129, %swap3A_130] : memref<512x768xf32, #tpu.memory_space<vmem>>, vector<512x768xf32>
      tpu.vector_store %arg12[%swap3A_129, %swap3A_130], %add3A_128 {strides = array<i32>} : memref<512x768xf32, #tpu.memory_space<vmem>>, vector<512x768xf32>,
      %dma_start3A_132 = arith.constant 0 : i32
      %dma_start3A_133 = arith.constant 0 : i32
      %dma_start3A_134 = tpu.memref_slice %arg2[%add3A_112, %dma_start3A_132, %dma_start3A_133] : memref<128x512x768xf32, #tpu.memory_space<any>> -> memref<1x512x768xf32, #tpu.memory_space<any>>
      %dma_start3A_135 = tpu.memref_squeeze %dma_start3A_134 : memref<1x512x768xf32, #tpu.memory_space<any>> -> memref<512x768xf32, #tpu.memory_space<any>>
      tpu.enqueue_dma source(%arg12 : memref<512x768xf32, #tpu.memory_space<vmem>>) target(%dma_start3A_135 : memref<512x768xf32, #tpu.memory_space<any>>) target_semaphore(%arg29 : memref<!tpu.dma_semaphore, #tpu.memory_space<semaphore_mem>>)
      %add3A_136 = arith.constant 8 : i32
      %add3A_137 = arith.addi %add3A_112, %add3A_136 : i32
      %lt3A_138 = arith.constant 128 : i32
      %lt3A_139 = arith.cmpi slt, %add3A_137, %lt3A_138 : i32
      %convert_element_type3A_140 = arith.extui %lt3A_139 : i1 to i32
      %cond3A_141 = arith.constant 0 : i32
      %cond3A_142 = arith.cmpi ne, %convert_element_type3A_140, %cond3A_141 : i32
      scf.if %cond3A_142 {
        %dma_start3A_347 = arith.constant 0 : i32
        %dma_start3A_348 = arith.constant 0 : i32
        %dma_start3A_349 = tpu.memref_slice %arg0[%add3A_137, %dma_start3A_347, %dma_start3A_348] : memref<128x512x768xf32, #tpu.memory_space<any>> -> memref<1x512x768xf32, #tpu.memory_space<any>>
        %dma_start3A_350 = tpu.memref_squeeze %dma_start3A_349 : memref<1x512x768xf32, #tpu.memory_space<any>> -> memref<512x768xf32, #tpu.memory_space<any>>
        tpu.enqueue_dma source(%dma_start3A_350 : memref<512x768xf32, #tpu.memory_space<any>>) target(%arg4 : memref<512x768xf32, #tpu.memory_space<vmem>>) target_semaphore(%arg21 : memref<!tpu.dma_semaphore, #tpu.memory_space<semaphore_mem>>)
      } else {
      }
      %mul3A_143 = arith.constant 8 : i32
      %mul3A_144 = arith.muli %scan3A_82, %mul3A_143 : i32
      %add3A_145 = arith.constant 2 : i32
      %add3A_146 = arith.addi %mul3A_144, %add3A_145 : i32
      %dma_wait3A_147 = arith.constant 0 : i32
      %dma_wait3A_148 = arith.constant 0 : i32
      %dma_wait3A_149 = tpu.memref_slice %arg0[%add3A_146, %dma_wait3A_147, %dma_wait3A_148] : memref<128x512x768xf32, #tpu.memory_space<any>> -> memref<1x512x768xf32, #tpu.memory_space<any>>
      %dma_wait3A_150 = tpu.memref_squeeze %dma_wait3A_149 : memref<1x512x768xf32, #tpu.memory_space<any>> -> memref<512x768xf32, #tpu.memory_space<any>>
      tpu.wait_dma2 semaphore(%arg22 : memref<!tpu.dma_semaphore, #tpu.memory_space<semaphore_mem>>) src(%dma_wait3A_150 : memref<512x768xf32, #tpu.memory_space<any>>) dst(%arg5 : memref<512x768xf32, #tpu.memory_space<vmem>>)
      %gt3A_151 = arith.constant 0 : i32
      %gt3A_152 = arith.cmpi sgt, %scan3A_82, %gt3A_151 : i32
      %convert_element_type3A_153 = arith.extui %gt3A_152 : i1 to i32
      %cond3A_154 = arith.constant 0 : i32
      %cond3A_155 = arith.cmpi ne, %convert_element_type3A_153, %cond3A_154 : i32
      scf.if %cond3A_155 {
        %dma_wait3A_347 = arith.constant 0 : i32
        %dma_wait3A_348 = arith.constant 0 : i32
        %dma_wait3A_349 = tpu.memref_slice %arg2[%add3A_146, %dma_wait3A_347, %dma_wait3A_348] : memref<128x512x768xf32, #tpu.memory_space<any>> -> memref<1x512x768xf32, #tpu.memory_space<any>>
        %dma_wait3A_350 = tpu.memref_squeeze %dma_wait3A_349 : memref<1x512x768xf32, #tpu.memory_space<any>> -> memref<512x768xf32, #tpu.memory_space<any>>
        tpu.wait_dma2 semaphore(%arg30 : memref<!tpu.dma_semaphore, #tpu.memory_space<semaphore_mem>>) src(%arg13 : memref<512x768xf32, #tpu.memory_space<vmem>>) dst(%dma_wait3A_350 : memref<512x768xf32, #tpu.memory_space<any>>)
      } else {
      }
      %get3A_156 = arith.constant 0 : index
      %get3A_157 = arith.constant 0 : index
      %get3A_158 = vector.load %arg5[%get3A_156, %get3A_157] : memref<512x768xf32, #tpu.memory_space<vmem>>, vector<512x768xf32>
      %get3A_159 = arith.constant 0 : index
      %get3A_160 = arith.constant 0 : index
      %get3A_161 = vector.load %arg19[%get3A_159, %get3A_160] : memref<1024x768xf32, #tpu.memory_space<vmem>>, vector<512x768xf32>
      %add3A_162 = arith.addf %get3A_158, %get3A_161 : vector<512x768xf32>
      %swap3A_163 = arith.constant 0 : index
      %swap3A_164 = arith.constant 0 : index
      %swap3A_165 = vector.load %arg13[%swap3A_163, %swap3A_164] : memref<512x768xf32, #tpu.memory_space<vmem>>, vector<512x768xf32>
      tpu.vector_store %arg13[%swap3A_163, %swap3A_164], %add3A_162 {strides = array<i32>} : memref<512x768xf32, #tpu.memory_space<vmem>>, vector<512x768xf32>,
      %dma_start3A_166 = arith.constant 0 : i32
      %dma_start3A_167 = arith.constant 0 : i32
      %dma_start3A_168 = tpu.memref_slice %arg2[%add3A_146, %dma_start3A_166, %dma_start3A_167] : memref<128x512x768xf32, #tpu.memory_space<any>> -> memref<1x512x768xf32, #tpu.memory_space<any>>
      %dma_start3A_169 = tpu.memref_squeeze %dma_start3A_168 : memref<1x512x768xf32, #tpu.memory_space<any>> -> memref<512x768xf32, #tpu.memory_space<any>>
      tpu.enqueue_dma source(%arg13 : memref<512x768xf32, #tpu.memory_space<vmem>>) target(%dma_start3A_169 : memref<512x768xf32, #tpu.memory_space<any>>) target_semaphore(%arg30 : memref<!tpu.dma_semaphore, #tpu.memory_space<semaphore_mem>>)
      %add3A_170 = arith.constant 8 : i32
      %add3A_171 = arith.addi %add3A_146, %add3A_170 : i32
      %lt3A_172 = arith.constant 128 : i32
      %lt3A_173 = arith.cmpi slt, %add3A_171, %lt3A_172 : i32
      %convert_element_type3A_174 = arith.extui %lt3A_173 : i1 to i32
      %cond3A_175 = arith.constant 0 : i32
      %cond3A_176 = arith.cmpi ne, %convert_element_type3A_174, %cond3A_175 : i32
      scf.if %cond3A_176 {
        %dma_start3A_347 = arith.constant 0 : i32
        %dma_start3A_348 = arith.constant 0 : i32
        %dma_start3A_349 = tpu.memref_slice %arg0[%add3A_171, %dma_start3A_347, %dma_start3A_348] : memref<128x512x768xf32, #tpu.memory_space<any>> -> memref<1x512x768xf32, #tpu.memory_space<any>>
        %dma_start3A_350 = tpu.memref_squeeze %dma_start3A_349 : memref<1x512x768xf32, #tpu.memory_space<any>> -> memref<512x768xf32, #tpu.memory_space<any>>
        tpu.enqueue_dma source(%dma_start3A_350 : memref<512x768xf32, #tpu.memory_space<any>>) target(%arg5 : memref<512x768xf32, #tpu.memory_space<vmem>>) target_semaphore(%arg22 : memref<!tpu.dma_semaphore, #tpu.memory_space<semaphore_mem>>)
      } else {
      }
      %mul3A_177 = arith.constant 8 : i32
      %mul3A_178 = arith.muli %scan3A_82, %mul3A_177 : i32
      %add3A_179 = arith.constant 3 : i32
      %add3A_180 = arith.addi %mul3A_178, %add3A_179 : i32
      %dma_wait3A_181 = arith.constant 0 : i32
      %dma_wait3A_182 = arith.constant 0 : i32
      %dma_wait3A_183 = tpu.memref_slice %arg0[%add3A_180, %dma_wait3A_181, %dma_wait3A_182] : memref<128x512x768xf32, #tpu.memory_space<any>> -> memref<1x512x768xf32, #tpu.memory_space<any>>
      %dma_wait3A_184 = tpu.memref_squeeze %dma_wait3A_183 : memref<1x512x768xf32, #tpu.memory_space<any>> -> memref<512x768xf32, #tpu.memory_space<any>>
      tpu.wait_dma2 semaphore(%arg23 : memref<!tpu.dma_semaphore, #tpu.memory_space<semaphore_mem>>) src(%dma_wait3A_184 : memref<512x768xf32, #tpu.memory_space<any>>) dst(%arg6 : memref<512x768xf32, #tpu.memory_space<vmem>>)
      %gt3A_185 = arith.constant 0 : i32
      %gt3A_186 = arith.cmpi sgt, %scan3A_82, %gt3A_185 : i32
      %convert_element_type3A_187 = arith.extui %gt3A_186 : i1 to i32
      %cond3A_188 = arith.constant 0 : i32
      %cond3A_189 = arith.cmpi ne, %convert_element_type3A_187, %cond3A_188 : i32
      scf.if %cond3A_189 {
        %dma_wait3A_347 = arith.constant 0 : i32
        %dma_wait3A_348 = arith.constant 0 : i32
        %dma_wait3A_349 = tpu.memref_slice %arg2[%add3A_180, %dma_wait3A_347, %dma_wait3A_348] : memref<128x512x768xf32, #tpu.memory_space<any>> -> memref<1x512x768xf32, #tpu.memory_space<any>>
        %dma_wait3A_350 = tpu.memref_squeeze %dma_wait3A_349 : memref<1x512x768xf32, #tpu.memory_space<any>> -> memref<512x768xf32, #tpu.memory_space<any>>
        tpu.wait_dma2 semaphore(%arg31 : memref<!tpu.dma_semaphore, #tpu.memory_space<semaphore_mem>>) src(%arg14 : memref<512x768xf32, #tpu.memory_space<vmem>>) dst(%dma_wait3A_350 : memref<512x768xf32, #tpu.memory_space<any>>)
      } else {
      }
      %get3A_190 = arith.constant 0 : index
      %get3A_191 = arith.constant 0 : index
      %get3A_192 = vector.load %arg6[%get3A_190, %get3A_191] : memref<512x768xf32, #tpu.memory_space<vmem>>, vector<512x768xf32>
      %get3A_193 = arith.constant 512 : index
      %get3A_194 = arith.constant 0 : index
      %get3A_195 = vector.load %arg19[%get3A_193, %get3A_194] : memref<1024x768xf32, #tpu.memory_space<vmem>>, vector<512x768xf32>
      %add3A_196 = arith.addf %get3A_192, %get3A_195 : vector<512x768xf32>
      %swap3A_197 = arith.constant 0 : index
      %swap3A_198 = arith.constant 0 : index
      %swap3A_199 = vector.load %arg14[%swap3A_197, %swap3A_198] : memref<512x768xf32, #tpu.memory_space<vmem>>, vector<512x768xf32>
      tpu.vector_store %arg14[%swap3A_197, %swap3A_198], %add3A_196 {strides = array<i32>} : memref<512x768xf32, #tpu.memory_space<vmem>>, vector<512x768xf32>,
      %dma_start3A_200 = arith.constant 0 : i32
      %dma_start3A_201 = arith.constant 0 : i32
      %dma_start3A_202 = tpu.memref_slice %arg2[%add3A_180, %dma_start3A_200, %dma_start3A_201] : memref<128x512x768xf32, #tpu.memory_space<any>> -> memref<1x512x768xf32, #tpu.memory_space<any>>
      %dma_start3A_203 = tpu.memref_squeeze %dma_start3A_202 : memref<1x512x768xf32, #tpu.memory_space<any>> -> memref<512x768xf32, #tpu.memory_space<any>>
      tpu.enqueue_dma source(%arg14 : memref<512x768xf32, #tpu.memory_space<vmem>>) target(%dma_start3A_203 : memref<512x768xf32, #tpu.memory_space<any>>) target_semaphore(%arg31 : memref<!tpu.dma_semaphore, #tpu.memory_space<semaphore_mem>>)
      %add3A_204 = arith.constant 8 : i32
      %add3A_205 = arith.addi %add3A_180, %add3A_204 : i32
      %lt3A_206 = arith.constant 128 : i32
      %lt3A_207 = arith.cmpi slt, %add3A_205, %lt3A_206 : i32
      %convert_element_type3A_208 = arith.extui %lt3A_207 : i1 to i32
      %cond3A_209 = arith.constant 0 : i32
      %cond3A_210 = arith.cmpi ne, %convert_element_type3A_208, %cond3A_209 : i32
      scf.if %cond3A_210 {
        %dma_start3A_347 = arith.constant 0 : i32
        %dma_start3A_348 = arith.constant 0 : i32
        %dma_start3A_349 = tpu.memref_slice %arg0[%add3A_205, %dma_start3A_347, %dma_start3A_348] : memref<128x512x768xf32, #tpu.memory_space<any>> -> memref<1x512x768xf32, #tpu.memory_space<any>>
        %dma_start3A_350 = tpu.memref_squeeze %dma_start3A_349 : memref<1x512x768xf32, #tpu.memory_space<any>> -> memref<512x768xf32, #tpu.memory_space<any>>
        tpu.enqueue_dma source(%dma_start3A_350 : memref<512x768xf32, #tpu.memory_space<any>>) target(%arg6 : memref<512x768xf32, #tpu.memory_space<vmem>>) target_semaphore(%arg23 : memref<!tpu.dma_semaphore, #tpu.memory_space<semaphore_mem>>)
      } else {
      }
      %mul3A_211 = arith.constant 8 : i32
      %mul3A_212 = arith.muli %scan3A_82, %mul3A_211 : i32
      %add3A_213 = arith.constant 4 : i32
      %add3A_214 = arith.addi %mul3A_212, %add3A_213 : i32
      %dma_wait3A_215 = arith.constant 0 : i32
      %dma_wait3A_216 = arith.constant 0 : i32
      %dma_wait3A_217 = tpu.memref_slice %arg0[%add3A_214, %dma_wait3A_215, %dma_wait3A_216] : memref<128x512x768xf32, #tpu.memory_space<any>> -> memref<1x512x768xf32, #tpu.memory_space<any>>
      %dma_wait3A_218 = tpu.memref_squeeze %dma_wait3A_217 : memref<1x512x768xf32, #tpu.memory_space<any>> -> memref<512x768xf32, #tpu.memory_space<any>>
      tpu.wait_dma2 semaphore(%arg24 : memref<!tpu.dma_semaphore, #tpu.memory_space<semaphore_mem>>) src(%dma_wait3A_218 : memref<512x768xf32, #tpu.memory_space<any>>) dst(%arg7 : memref<512x768xf32, #tpu.memory_space<vmem>>)
      %gt3A_219 = arith.constant 0 : i32
      %gt3A_220 = arith.cmpi sgt, %scan3A_82, %gt3A_219 : i32
      %convert_element_type3A_221 = arith.extui %gt3A_220 : i1 to i32
      %cond3A_222 = arith.constant 0 : i32
      %cond3A_223 = arith.cmpi ne, %convert_element_type3A_221, %cond3A_222 : i32
      scf.if %cond3A_223 {
        %dma_wait3A_347 = arith.constant 0 : i32
        %dma_wait3A_348 = arith.constant 0 : i32
        %dma_wait3A_349 = tpu.memref_slice %arg2[%add3A_214, %dma_wait3A_347, %dma_wait3A_348] : memref<128x512x768xf32, #tpu.memory_space<any>> -> memref<1x512x768xf32, #tpu.memory_space<any>>
        %dma_wait3A_350 = tpu.memref_squeeze %dma_wait3A_349 : memref<1x512x768xf32, #tpu.memory_space<any>> -> memref<512x768xf32, #tpu.memory_space<any>>
        tpu.wait_dma2 semaphore(%arg32 : memref<!tpu.dma_semaphore, #tpu.memory_space<semaphore_mem>>) src(%arg15 : memref<512x768xf32, #tpu.memory_space<vmem>>) dst(%dma_wait3A_350 : memref<512x768xf32, #tpu.memory_space<any>>)
      } else {
      }
      %get3A_224 = arith.constant 0 : index
      %get3A_225 = arith.constant 0 : index
      %get3A_226 = vector.load %arg7[%get3A_224, %get3A_225] : memref<512x768xf32, #tpu.memory_space<vmem>>, vector<512x768xf32>
      %get3A_227 = arith.constant 0 : index
      %get3A_228 = arith.constant 0 : index
      %get3A_229 = vector.load %arg19[%get3A_227, %get3A_228] : memref<1024x768xf32, #tpu.memory_space<vmem>>, vector<512x768xf32>
      %add3A_230 = arith.addf %get3A_226, %get3A_229 : vector<512x768xf32>
      %swap3A_231 = arith.constant 0 : index
      %swap3A_232 = arith.constant 0 : index
      %swap3A_233 = vector.load %arg15[%swap3A_231, %swap3A_232] : memref<512x768xf32, #tpu.memory_space<vmem>>, vector<512x768xf32>
      tpu.vector_store %arg15[%swap3A_231, %swap3A_232], %add3A_230 {strides = array<i32>} : memref<512x768xf32, #tpu.memory_space<vmem>>, vector<512x768xf32>,
      %dma_start3A_234 = arith.constant 0 : i32
      %dma_start3A_235 = arith.constant 0 : i32
      %dma_start3A_236 = tpu.memref_slice %arg2[%add3A_214, %dma_start3A_234, %dma_start3A_235] : memref<128x512x768xf32, #tpu.memory_space<any>> -> memref<1x512x768xf32, #tpu.memory_space<any>>
      %dma_start3A_237 = tpu.memref_squeeze %dma_start3A_236 : memref<1x512x768xf32, #tpu.memory_space<any>> -> memref<512x768xf32, #tpu.memory_space<any>>
      tpu.enqueue_dma source(%arg15 : memref<512x768xf32, #tpu.memory_space<vmem>>) target(%dma_start3A_237 : memref<512x768xf32, #tpu.memory_space<any>>) target_semaphore(%arg32 : memref<!tpu.dma_semaphore, #tpu.memory_space<semaphore_mem>>)
      %add3A_238 = arith.constant 8 : i32
      %add3A_239 = arith.addi %add3A_214, %add3A_238 : i32
      %lt3A_240 = arith.constant 128 : i32
      %lt3A_241 = arith.cmpi slt, %add3A_239, %lt3A_240 : i32
      %convert_element_type3A_242 = arith.extui %lt3A_241 : i1 to i32
      %cond3A_243 = arith.constant 0 : i32
      %cond3A_244 = arith.cmpi ne, %convert_element_type3A_242, %cond3A_243 : i32
      scf.if %cond3A_244 {
        %dma_start3A_347 = arith.constant 0 : i32
        %dma_start3A_348 = arith.constant 0 : i32
        %dma_start3A_349 = tpu.memref_slice %arg0[%add3A_239, %dma_start3A_347, %dma_start3A_348] : memref<128x512x768xf32, #tpu.memory_space<any>> -> memref<1x512x768xf32, #tpu.memory_space<any>>
        %dma_start3A_350 = tpu.memref_squeeze %dma_start3A_349 : memref<1x512x768xf32, #tpu.memory_space<any>> -> memref<512x768xf32, #tpu.memory_space<any>>
        tpu.enqueue_dma source(%dma_start3A_350 : memref<512x768xf32, #tpu.memory_space<any>>) target(%arg7 : memref<512x768xf32, #tpu.memory_space<vmem>>) target_semaphore(%arg24 : memref<!tpu.dma_semaphore, #tpu.memory_space<semaphore_mem>>)
      } else {
      }
      %mul3A_245 = arith.constant 8 : i32
      %mul3A_246 = arith.muli %scan3A_82, %mul3A_245 : i32
      %add3A_247 = arith.constant 5 : i32
      %add3A_248 = arith.addi %mul3A_246, %add3A_247 : i32
      %dma_wait3A_249 = arith.constant 0 : i32
      %dma_wait3A_250 = arith.constant 0 : i32
      %dma_wait3A_251 = tpu.memref_slice %arg0[%add3A_248, %dma_wait3A_249, %dma_wait3A_250] : memref<128x512x768xf32, #tpu.memory_space<any>> -> memref<1x512x768xf32, #tpu.memory_space<any>>
      %dma_wait3A_252 = tpu.memref_squeeze %dma_wait3A_251 : memref<1x512x768xf32, #tpu.memory_space<any>> -> memref<512x768xf32, #tpu.memory_space<any>>
      tpu.wait_dma2 semaphore(%arg25 : memref<!tpu.dma_semaphore, #tpu.memory_space<semaphore_mem>>) src(%dma_wait3A_252 : memref<512x768xf32, #tpu.memory_space<any>>) dst(%arg8 : memref<512x768xf32, #tpu.memory_space<vmem>>)
      %gt3A_253 = arith.constant 0 : i32
      %gt3A_254 = arith.cmpi sgt, %scan3A_82, %gt3A_253 : i32
      %convert_element_type3A_255 = arith.extui %gt3A_254 : i1 to i32
      %cond3A_256 = arith.constant 0 : i32
      %cond3A_257 = arith.cmpi ne, %convert_element_type3A_255, %cond3A_256 : i32
      scf.if %cond3A_257 {
        %dma_wait3A_347 = arith.constant 0 : i32
        %dma_wait3A_348 = arith.constant 0 : i32
        %dma_wait3A_349 = tpu.memref_slice %arg2[%add3A_248, %dma_wait3A_347, %dma_wait3A_348] : memref<128x512x768xf32, #tpu.memory_space<any>> -> memref<1x512x768xf32, #tpu.memory_space<any>>
        %dma_wait3A_350 = tpu.memref_squeeze %dma_wait3A_349 : memref<1x512x768xf32, #tpu.memory_space<any>> -> memref<512x768xf32, #tpu.memory_space<any>>
        tpu.wait_dma2 semaphore(%arg33 : memref<!tpu.dma_semaphore, #tpu.memory_space<semaphore_mem>>) src(%arg16 : memref<512x768xf32, #tpu.memory_space<vmem>>) dst(%dma_wait3A_350 : memref<512x768xf32, #tpu.memory_space<any>>)
      } else {
      }
      %get3A_258 = arith.constant 0 : index
      %get3A_259 = arith.constant 0 : index
      %get3A_260 = vector.load %arg8[%get3A_258, %get3A_259] : memref<512x768xf32, #tpu.memory_space<vmem>>, vector<512x768xf32>
      %get3A_261 = arith.constant 512 : index
      %get3A_262 = arith.constant 0 : index
      %get3A_263 = vector.load %arg19[%get3A_261, %get3A_262] : memref<1024x768xf32, #tpu.memory_space<vmem>>, vector<512x768xf32>
      %add3A_264 = arith.addf %get3A_260, %get3A_263 : vector<512x768xf32>
      %swap3A_265 = arith.constant 0 : index
      %swap3A_266 = arith.constant 0 : index
      %swap3A_267 = vector.load %arg16[%swap3A_265, %swap3A_266] : memref<512x768xf32, #tpu.memory_space<vmem>>, vector<512x768xf32>
      tpu.vector_store %arg16[%swap3A_265, %swap3A_266], %add3A_264 {strides = array<i32>} : memref<512x768xf32, #tpu.memory_space<vmem>>, vector<512x768xf32>,
      %dma_start3A_268 = arith.constant 0 : i32
      %dma_start3A_269 = arith.constant 0 : i32
      %dma_start3A_270 = tpu.memref_slice %arg2[%add3A_248, %dma_start3A_268, %dma_start3A_269] : memref<128x512x768xf32, #tpu.memory_space<any>> -> memref<1x512x768xf32, #tpu.memory_space<any>>
      %dma_start3A_271 = tpu.memref_squeeze %dma_start3A_270 : memref<1x512x768xf32, #tpu.memory_space<any>> -> memref<512x768xf32, #tpu.memory_space<any>>
      tpu.enqueue_dma source(%arg16 : memref<512x768xf32, #tpu.memory_space<vmem>>) target(%dma_start3A_271 : memref<512x768xf32, #tpu.memory_space<any>>) target_semaphore(%arg33 : memref<!tpu.dma_semaphore, #tpu.memory_space<semaphore_mem>>)
      %add3A_272 = arith.constant 8 : i32
      %add3A_273 = arith.addi %add3A_248, %add3A_272 : i32
      %lt3A_274 = arith.constant 128 : i32
      %lt3A_275 = arith.cmpi slt, %add3A_273, %lt3A_274 : i32
      %convert_element_type3A_276 = arith.extui %lt3A_275 : i1 to i32
      %cond3A_277 = arith.constant 0 : i32
      %cond3A_278 = arith.cmpi ne, %convert_element_type3A_276, %cond3A_277 : i32
      scf.if %cond3A_278 {
        %dma_start3A_347 = arith.constant 0 : i32
        %dma_start3A_348 = arith.constant 0 : i32
        %dma_start3A_349 = tpu.memref_slice %arg0[%add3A_273, %dma_start3A_347, %dma_start3A_348] : memref<128x512x768xf32, #tpu.memory_space<any>> -> memref<1x512x768xf32, #tpu.memory_space<any>>
        %dma_start3A_350 = tpu.memref_squeeze %dma_start3A_349 : memref<1x512x768xf32, #tpu.memory_space<any>> -> memref<512x768xf32, #tpu.memory_space<any>>
        tpu.enqueue_dma source(%dma_start3A_350 : memref<512x768xf32, #tpu.memory_space<any>>) target(%arg8 : memref<512x768xf32, #tpu.memory_space<vmem>>) target_semaphore(%arg25 : memref<!tpu.dma_semaphore, #tpu.memory_space<semaphore_mem>>)
      } else {
      }
      %mul3A_279 = arith.constant 8 : i32
      %mul3A_280 = arith.muli %scan3A_82, %mul3A_279 : i32
      %add3A_281 = arith.constant 6 : i32
      %add3A_282 = arith.addi %mul3A_280, %add3A_281 : i32
      %dma_wait3A_283 = arith.constant 0 : i32
      %dma_wait3A_284 = arith.constant 0 : i32
      %dma_wait3A_285 = tpu.memref_slice %arg0[%add3A_282, %dma_wait3A_283, %dma_wait3A_284] : memref<128x512x768xf32, #tpu.memory_space<any>> -> memref<1x512x768xf32, #tpu.memory_space<any>>
      %dma_wait3A_286 = tpu.memref_squeeze %dma_wait3A_285 : memref<1x512x768xf32, #tpu.memory_space<any>> -> memref<512x768xf32, #tpu.memory_space<any>>
      tpu.wait_dma2 semaphore(%arg26 : memref<!tpu.dma_semaphore, #tpu.memory_space<semaphore_mem>>) src(%dma_wait3A_286 : memref<512x768xf32, #tpu.memory_space<any>>) dst(%arg9 : memref<512x768xf32, #tpu.memory_space<vmem>>)
      %gt3A_287 = arith.constant 0 : i32
      %gt3A_288 = arith.cmpi sgt, %scan3A_82, %gt3A_287 : i32
      %convert_element_type3A_289 = arith.extui %gt3A_288 : i1 to i32
      %cond3A_290 = arith.constant 0 : i32
      %cond3A_291 = arith.cmpi ne, %convert_element_type3A_289, %cond3A_290 : i32
      scf.if %cond3A_291 {
        %dma_wait3A_347 = arith.constant 0 : i32
        %dma_wait3A_348 = arith.constant 0 : i32
        %dma_wait3A_349 = tpu.memref_slice %arg2[%add3A_282, %dma_wait3A_347, %dma_wait3A_348] : memref<128x512x768xf32, #tpu.memory_space<any>> -> memref<1x512x768xf32, #tpu.memory_space<any>>
        %dma_wait3A_350 = tpu.memref_squeeze %dma_wait3A_349 : memref<1x512x768xf32, #tpu.memory_space<any>> -> memref<512x768xf32, #tpu.memory_space<any>>
        tpu.wait_dma2 semaphore(%arg34 : memref<!tpu.dma_semaphore, #tpu.memory_space<semaphore_mem>>) src(%arg17 : memref<512x768xf32, #tpu.memory_space<vmem>>) dst(%dma_wait3A_350 : memref<512x768xf32, #tpu.memory_space<any>>)
      } else {
      }
      %get3A_292 = arith.constant 0 : index
      %get3A_293 = arith.constant 0 : index
      %get3A_294 = vector.load %arg9[%get3A_292, %get3A_293] : memref<512x768xf32, #tpu.memory_space<vmem>>, vector<512x768xf32>
      %get3A_295 = arith.constant 0 : index
      %get3A_296 = arith.constant 0 : index
      %get3A_297 = vector.load %arg19[%get3A_295, %get3A_296] : memref<1024x768xf32, #tpu.memory_space<vmem>>, vector<512x768xf32>
      %add3A_298 = arith.addf %get3A_294, %get3A_297 : vector<512x768xf32>
      %swap3A_299 = arith.constant 0 : index
      %swap3A_300 = arith.constant 0 : index
      %swap3A_301 = vector.load %arg17[%swap3A_299, %swap3A_300] : memref<512x768xf32, #tpu.memory_space<vmem>>, vector<512x768xf32>
      tpu.vector_store %arg17[%swap3A_299, %swap3A_300], %add3A_298 {strides = array<i32>} : memref<512x768xf32, #tpu.memory_space<vmem>>, vector<512x768xf32>,
      %dma_start3A_302 = arith.constant 0 : i32
      %dma_start3A_303 = arith.constant 0 : i32
      %dma_start3A_304 = tpu.memref_slice %arg2[%add3A_282, %dma_start3A_302, %dma_start3A_303] : memref<128x512x768xf32, #tpu.memory_space<any>> -> memref<1x512x768xf32, #tpu.memory_space<any>>
      %dma_start3A_305 = tpu.memref_squeeze %dma_start3A_304 : memref<1x512x768xf32, #tpu.memory_space<any>> -> memref<512x768xf32, #tpu.memory_space<any>>
      tpu.enqueue_dma source(%arg17 : memref<512x768xf32, #tpu.memory_space<vmem>>) target(%dma_start3A_305 : memref<512x768xf32, #tpu.memory_space<any>>) target_semaphore(%arg34 : memref<!tpu.dma_semaphore, #tpu.memory_space<semaphore_mem>>)
      %add3A_306 = arith.constant 8 : i32
      %add3A_307 = arith.addi %add3A_282, %add3A_306 : i32
      %lt3A_308 = arith.constant 128 : i32
      %lt3A_309 = arith.cmpi slt, %add3A_307, %lt3A_308 : i32
      %convert_element_type3A_310 = arith.extui %lt3A_309 : i1 to i32
      %cond3A_311 = arith.constant 0 : i32
      %cond3A_312 = arith.cmpi ne, %convert_element_type3A_310, %cond3A_311 : i32
      scf.if %cond3A_312 {
        %dma_start3A_347 = arith.constant 0 : i32
        %dma_start3A_348 = arith.constant 0 : i32
        %dma_start3A_349 = tpu.memref_slice %arg0[%add3A_307, %dma_start3A_347, %dma_start3A_348] : memref<128x512x768xf32, #tpu.memory_space<any>> -> memref<1x512x768xf32, #tpu.memory_space<any>>
        %dma_start3A_350 = tpu.memref_squeeze %dma_start3A_349 : memref<1x512x768xf32, #tpu.memory_space<any>> -> memref<512x768xf32, #tpu.memory_space<any>>
        tpu.enqueue_dma source(%dma_start3A_350 : memref<512x768xf32, #tpu.memory_space<any>>) target(%arg9 : memref<512x768xf32, #tpu.memory_space<vmem>>) target_semaphore(%arg26 : memref<!tpu.dma_semaphore, #tpu.memory_space<semaphore_mem>>)
      } else {
      }
      %mul3A_313 = arith.constant 8 : i32
      %mul3A_314 = arith.muli %scan3A_82, %mul3A_313 : i32
      %add3A_315 = arith.constant 7 : i32
      %add3A_316 = arith.addi %mul3A_314, %add3A_315 : i32
      %dma_wait3A_317 = arith.constant 0 : i32
      %dma_wait3A_318 = arith.constant 0 : i32
      %dma_wait3A_319 = tpu.memref_slice %arg0[%add3A_316, %dma_wait3A_317, %dma_wait3A_318] : memref<128x512x768xf32, #tpu.memory_space<any>> -> memref<1x512x768xf32, #tpu.memory_space<any>>
      %dma_wait3A_320 = tpu.memref_squeeze %dma_wait3A_319 : memref<1x512x768xf32, #tpu.memory_space<any>> -> memref<512x768xf32, #tpu.memory_space<any>>
      tpu.wait_dma2 semaphore(%arg27 : memref<!tpu.dma_semaphore, #tpu.memory_space<semaphore_mem>>) src(%dma_wait3A_320 : memref<512x768xf32, #tpu.memory_space<any>>) dst(%arg10 : memref<512x768xf32, #tpu.memory_space<vmem>>)
      %gt3A_321 = arith.constant 0 : i32
      %gt3A_322 = arith.cmpi sgt, %scan3A_82, %gt3A_321 : i32
      %convert_element_type3A_323 = arith.extui %gt3A_322 : i1 to i32
      %cond3A_324 = arith.constant 0 : i32
      %cond3A_325 = arith.cmpi ne, %convert_element_type3A_323, %cond3A_324 : i32
      scf.if %cond3A_325 {
        %dma_wait3A_347 = arith.constant 0 : i32
        %dma_wait3A_348 = arith.constant 0 : i32
        %dma_wait3A_349 = tpu.memref_slice %arg2[%add3A_316, %dma_wait3A_347, %dma_wait3A_348] : memref<128x512x768xf32, #tpu.memory_space<any>> -> memref<1x512x768xf32, #tpu.memory_space<any>>
        %dma_wait3A_350 = tpu.memref_squeeze %dma_wait3A_349 : memref<1x512x768xf32, #tpu.memory_space<any>> -> memref<512x768xf32, #tpu.memory_space<any>>
        tpu.wait_dma2 semaphore(%arg35 : memref<!tpu.dma_semaphore, #tpu.memory_space<semaphore_mem>>) src(%arg18 : memref<512x768xf32, #tpu.memory_space<vmem>>) dst(%dma_wait3A_350 : memref<512x768xf32, #tpu.memory_space<any>>)
      } else {
      }
      %get3A_326 = arith.constant 0 : index
      %get3A_327 = arith.constant 0 : index
      %get3A_328 = vector.load %arg10[%get3A_326, %get3A_327] : memref<512x768xf32, #tpu.memory_space<vmem>>, vector<512x768xf32>
      %get3A_329 = arith.constant 512 : index
      %get3A_330 = arith.constant 0 : index
      %get3A_331 = vector.load %arg19[%get3A_329, %get3A_330] : memref<1024x768xf32, #tpu.memory_space<vmem>>, vector<512x768xf32>
      %add3A_332 = arith.addf %get3A_328, %get3A_331 : vector<512x768xf32>
      %swap3A_333 = arith.constant 0 : index
      %swap3A_334 = arith.constant 0 : index
      %swap3A_335 = vector.load %arg18[%swap3A_333, %swap3A_334] : memref<512x768xf32, #tpu.memory_space<vmem>>, vector<512x768xf32>
      tpu.vector_store %arg18[%swap3A_333, %swap3A_334], %add3A_332 {strides = array<i32>} : memref<512x768xf32, #tpu.memory_space<vmem>>, vector<512x768xf32>,
      %dma_start3A_336 = arith.constant 0 : i32
      %dma_start3A_337 = arith.constant 0 : i32
      %dma_start3A_338 = tpu.memref_slice %arg2[%add3A_316, %dma_start3A_336, %dma_start3A_337] : memref<128x512x768xf32, #tpu.memory_space<any>> -> memref<1x512x768xf32, #tpu.memory_space<any>>
      %dma_start3A_339 = tpu.memref_squeeze %dma_start3A_338 : memref<1x512x768xf32, #tpu.memory_space<any>> -> memref<512x768xf32, #tpu.memory_space<any>>
      tpu.enqueue_dma source(%arg18 : memref<512x768xf32, #tpu.memory_space<vmem>>) target(%dma_start3A_339 : memref<512x768xf32, #tpu.memory_space<any>>) target_semaphore(%arg35 : memref<!tpu.dma_semaphore, #tpu.memory_space<semaphore_mem>>)
      %add3A_340 = arith.constant 8 : i32
      %add3A_341 = arith.addi %add3A_316, %add3A_340 : i32
      %lt3A_342 = arith.constant 128 : i32
      %lt3A_343 = arith.cmpi slt, %add3A_341, %lt3A_342 : i32
      %convert_element_type3A_344 = arith.extui %lt3A_343 : i1 to i32
      %cond3A_345 = arith.constant 0 : i32
      %cond3A_346 = arith.cmpi ne, %convert_element_type3A_344, %cond3A_345 : i32
      scf.if %cond3A_346 {
        %dma_start3A_347 = arith.constant 0 : i32
        %dma_start3A_348 = arith.constant 0 : i32
        %dma_start3A_349 = tpu.memref_slice %arg0[%add3A_341, %dma_start3A_347, %dma_start3A_348] : memref<128x512x768xf32, #tpu.memory_space<any>> -> memref<1x512x768xf32, #tpu.memory_space<any>>
        %dma_start3A_350 = tpu.memref_squeeze %dma_start3A_349 : memref<1x512x768xf32, #tpu.memory_space<any>> -> memref<512x768xf32, #tpu.memory_space<any>>
        tpu.enqueue_dma source(%dma_start3A_350 : memref<512x768xf32, #tpu.memory_space<any>>) target(%arg10 : memref<512x768xf32, #tpu.memory_space<vmem>>) target_semaphore(%arg27 : memref<!tpu.dma_semaphore, #tpu.memory_space<semaphore_mem>>)
      } else {
      }
    }
    %scan3A_42 = arith.constant 16 : i32
    %dma_wait3A = arith.constant 120 : i32
    %dma_wait3A_43 = arith.constant 0 : i32
    %dma_wait3A_44 = arith.constant 0 : i32
    %dma_wait3A_45 = tpu.memref_slice %arg2[%dma_wait3A, %dma_wait3A_43, %dma_wait3A_44] : memref<128x512x768xf32, #tpu.memory_space<any>> -> memref<1x512x768xf32, #tpu.memory_space<any>>
    %dma_wait3A_46 = tpu.memref_squeeze %dma_wait3A_45 : memref<1x512x768xf32, #tpu.memory_space<any>> -> memref<512x768xf32, #tpu.memory_space<any>>
    tpu.wait_dma2 semaphore(%arg28 : memref<!tpu.dma_semaphore, #tpu.memory_space<semaphore_mem>>) src(%arg11 : memref<512x768xf32, #tpu.memory_space<vmem>>) dst(%dma_wait3A_46 : memref<512x768xf32, #tpu.memory_space<any>>)
    %dma_wait3A_47 = arith.constant 121 : i32
    %dma_wait3A_48 = arith.constant 0 : i32
    %dma_wait3A_49 = arith.constant 0 : i32
    %dma_wait3A_50 = tpu.memref_slice %arg2[%dma_wait3A_47, %dma_wait3A_48, %dma_wait3A_49] : memref<128x512x768xf32, #tpu.memory_space<any>> -> memref<1x512x768xf32, #tpu.memory_space<any>>
    %dma_wait3A_51 = tpu.memref_squeeze %dma_wait3A_50 : memref<1x512x768xf32, #tpu.memory_space<any>> -> memref<512x768xf32, #tpu.memory_space<any>>
    tpu.wait_dma2 semaphore(%arg29 : memref<!tpu.dma_semaphore, #tpu.memory_space<semaphore_mem>>) src(%arg12 : memref<512x768xf32, #tpu.memory_space<vmem>>) dst(%dma_wait3A_51 : memref<512x768xf32, #tpu.memory_space<any>>)
    %dma_wait3A_52 = arith.constant 122 : i32
    %dma_wait3A_53 = arith.constant 0 : i32
    %dma_wait3A_54 = arith.constant 0 : i32
    %dma_wait3A_55 = tpu.memref_slice %arg2[%dma_wait3A_52, %dma_wait3A_53, %dma_wait3A_54] : memref<128x512x768xf32, #tpu.memory_space<any>> -> memref<1x512x768xf32, #tpu.memory_space<any>>
    %dma_wait3A_56 = tpu.memref_squeeze %dma_wait3A_55 : memref<1x512x768xf32, #tpu.memory_space<any>> -> memref<512x768xf32, #tpu.memory_space<any>>
    tpu.wait_dma2 semaphore(%arg30 : memref<!tpu.dma_semaphore, #tpu.memory_space<semaphore_mem>>) src(%arg13 : memref<512x768xf32, #tpu.memory_space<vmem>>) dst(%dma_wait3A_56 : memref<512x768xf32, #tpu.memory_space<any>>)
    %dma_wait3A_57 = arith.constant 123 : i32
    %dma_wait3A_58 = arith.constant 0 : i32
    %dma_wait3A_59 = arith.constant 0 : i32
    %dma_wait3A_60 = tpu.memref_slice %arg2[%dma_wait3A_57, %dma_wait3A_58, %dma_wait3A_59] : memref<128x512x768xf32, #tpu.memory_space<any>> -> memref<1x512x768xf32, #tpu.memory_space<any>>
    %dma_wait3A_61 = tpu.memref_squeeze %dma_wait3A_60 : memref<1x512x768xf32, #tpu.memory_space<any>> -> memref<512x768xf32, #tpu.memory_space<any>>
    tpu.wait_dma2 semaphore(%arg31 : memref<!tpu.dma_semaphore, #tpu.memory_space<semaphore_mem>>) src(%arg14 : memref<512x768xf32, #tpu.memory_space<vmem>>) dst(%dma_wait3A_61 : memref<512x768xf32, #tpu.memory_space<any>>)
    %dma_wait3A_62 = arith.constant 124 : i32
    %dma_wait3A_63 = arith.constant 0 : i32
    %dma_wait3A_64 = arith.constant 0 : i32
    %dma_wait3A_65 = tpu.memref_slice %arg2[%dma_wait3A_62, %dma_wait3A_63, %dma_wait3A_64] : memref<128x512x768xf32, #tpu.memory_space<any>> -> memref<1x512x768xf32, #tpu.memory_space<any>>
    %dma_wait3A_66 = tpu.memref_squeeze %dma_wait3A_65 : memref<1x512x768xf32, #tpu.memory_space<any>> -> memref<512x768xf32, #tpu.memory_space<any>>
    tpu.wait_dma2 semaphore(%arg32 : memref<!tpu.dma_semaphore, #tpu.memory_space<semaphore_mem>>) src(%arg15 : memref<512x768xf32, #tpu.memory_space<vmem>>) dst(%dma_wait3A_66 : memref<512x768xf32, #tpu.memory_space<any>>)
    %dma_wait3A_67 = arith.constant 125 : i32
    %dma_wait3A_68 = arith.constant 0 : i32
    %dma_wait3A_69 = arith.constant 0 : i32
    %dma_wait3A_70 = tpu.memref_slice %arg2[%dma_wait3A_67, %dma_wait3A_68, %dma_wait3A_69] : memref<128x512x768xf32, #tpu.memory_space<any>> -> memref<1x512x768xf32, #tpu.memory_space<any>>
    %dma_wait3A_71 = tpu.memref_squeeze %dma_wait3A_70 : memref<1x512x768xf32, #tpu.memory_space<any>> -> memref<512x768xf32, #tpu.memory_space<any>>
    tpu.wait_dma2 semaphore(%arg33 : memref<!tpu.dma_semaphore, #tpu.memory_space<semaphore_mem>>) src(%arg16 : memref<512x768xf32, #tpu.memory_space<vmem>>) dst(%dma_wait3A_71 : memref<512x768xf32, #tpu.memory_space<any>>)
    %dma_wait3A_72 = arith.constant 126 : i32
    %dma_wait3A_73 = arith.constant 0 : i32
    %dma_wait3A_74 = arith.constant 0 : i32
    %dma_wait3A_75 = tpu.memref_slice %arg2[%dma_wait3A_72, %dma_wait3A_73, %dma_wait3A_74] : memref<128x512x768xf32, #tpu.memory_space<any>> -> memref<1x512x768xf32, #tpu.memory_space<any>>
    %dma_wait3A_76 = tpu.memref_squeeze %dma_wait3A_75 : memref<1x512x768xf32, #tpu.memory_space<any>> -> memref<512x768xf32, #tpu.memory_space<any>>
    tpu.wait_dma2 semaphore(%arg34 : memref<!tpu.dma_semaphore, #tpu.memory_space<semaphore_mem>>) src(%arg17 : memref<512x768xf32, #tpu.memory_space<vmem>>) dst(%dma_wait3A_76 : memref<512x768xf32, #tpu.memory_space<any>>)
    %dma_wait3A_77 = arith.constant 127 : i32
    %dma_wait3A_78 = arith.constant 0 : i32
    %dma_wait3A_79 = arith.constant 0 : i32
    %dma_wait3A_80 = tpu.memref_slice %arg2[%dma_wait3A_77, %dma_wait3A_78, %dma_wait3A_79] : memref<128x512x768xf32, #tpu.memory_space<any>> -> memref<1x512x768xf32, #tpu.memory_space<any>>
    %dma_wait3A_81 = tpu.memref_squeeze %dma_wait3A_80 : memref<1x512x768xf32, #tpu.memory_space<any>> -> memref<512x768xf32, #tpu.memory_space<any>>
    tpu.wait_dma2 semaphore(%arg35 : memref<!tpu.dma_semaphore, #tpu.memory_space<semaphore_mem>>) src(%arg18 : memref<512x768xf32, #tpu.memory_space<vmem>>) dst(%dma_wait3A_81 : memref<512x768xf32, #tpu.memory_space<any>>)
    return
  }
}

</mosaic_0001>

<sc_bundles>
// kernel: kernel.4.cloned.1.call-start
scs
__scs_entry_jumppad:
0x0: {  	(pc) =	sbr.rel $0x88, $3  }
0x1: {  	(tag) =	ssettag $0x0;
	lr =	simm.s32 $0x1  }
0x2: {  	[smem:$0x3F9E] =	sst lr;
	_ =	strace $0xD0000000  }
0x3: {  	_ = 	snop  }
0x4: {  	_ = 	snop  }
0x5: {  	_ = 	snop  }
0x6: {  	_ = 	snop  }
0x7: {  	_ = 	snop  }
__scs_overlays_trampoline_lowered:
0x8: {  	[smem:$0x3FAD] =	sst s0  }
0x9: {  	[smem:$0x3FAE] =	sst s1  }
0xa: {  	[smem:$0x3FAF] =	sst s2  }
0xb: {  	[smem:$0x3FB0] =	sst s3  }
0xc: {  	[smem:$0x3FB1] =	sst s4  }
0xd: {  	[smem:$0x3FB2] =	sst s5  }
0xe: {  	[smem:$0x3FB3] =	sst s6  }
0xf: {  	[smem:$0x3FB4] =	sst s7  }
0x10: {  	[smem:$0x3FB5] =	sst s8  }
0x11: {  	[smem:$0x3FB6] =	sst s9;
	s0 =	simm.s32 @!p0 $0x0  }
0x12: {  	s1 =	sld [smem:$0x3F9C];
	s0 =	simm.s32 @p0 $0x1  }
0x13: {  	[smem:$0x3FB7] =	sst s0;
	s0 =	simm.s32 @!p1 $0x0  }
0x14: {  	s2 =	sld [smem:$0x3F9B];
	s0 =	simm.s32 @p1 $0x1  }
0x15: {  	[smem:$0x3FB8] =	sst s0;
	s0 =	simm.s32 @!p2 $0x0  }
0x16: {  	s3 =	sld [smem:$0x3FDB];
	s0 =	simm.s32 @p2 $0x1  }
0x17: {  	s4 =	simm.s32 $0x1BF5;
	[smem:$0x3FBA] =	sst s0  }
0x18: {  	s0 =	sld [smem:$0x3F9D];
	_ =	swait.ge [sflag:s4], $0x0  }
0x19: {  	s7 =	sld [smem:$0x3F9E]  }
0x1a: {  	s8 =	sadd.s32 $0xFFFFE003, lr  }
0x1b: {  	s9 =	sadd.s32 $0xFFFFFEF7, lr;
	s5 =	simm.s32 $0xFFFFFFFF;
	p2 =	slt.u32 s8, $0xFFFFF086  }
0x1c: {  	p1 =	slt.u32 s9, $0xF7A;
	s5 =	simm.s32 @!p2 $0x0  }
0x1d: {  	s5 =	simm.s32 @p1 $0x1;
	p0 =	seq.s32 s7, s2  }
0x1e: {  	s7 =	smul.u32 @!p0 $0xF7A, s2;
	p2 =	seq.s32 @!p0 s5, $0x0  }
0x1f: {  	s9 =	smul.u32 $0xF7A, s1;
	s8 =	simm.s32 @!p0 $0x1BF5;
	p2 =	por !p2, p0  }
0x20: {  	[sflag:s8] =	ssyncset.s32 @!p0 $0xFFFFF086;
	s6 =	sadd.s32 @!p0 s3, s7;
	s7 =	simm.s32 @!p0 $0x108  }
0x21: {  	s3 =	sadd.s32 s3, s9;
	s6 =	sadd.s32 @!p0 $0x88, s6;
	s7 =	simm.s32 @p2 $0x1082  }
0x22: {  	[simem:s7], [sflag:s8] =	dma.local @!p0 [hbm:s6], $0xF7A  }
0x23: {  	s9 =	sor.u32 $0xD0000000, s2;
	s6 =	simm.s32 $0x108;
	_ =	swait.ge @!p0 [sflag:s8], $0x0  }
0x24: {  	s3 =	sadd.s32 $0x88, s3;
	s6 =	simm.s32 @!p1 $0x1082;
	[sflag:s4] =	ssyncset.s32 $0xFFFFF086  }
0x25: {  	[simem:s6], [sflag:s4] =	dma.local [hbm:s3], $0xF7A  }
0x26: {  	[smem:$0x3F9E] =	sst s1;
	(tag) =	ssettag s2;
	_ =	strace s9  }
0x27: {  	s1 =	sld [smem:$0x3FAE]  }
0x28: {  	s2 =	sld [smem:$0x3FAF]  }
0x29: {  	s4 =	sld [smem:$0x3FB1]  }
0x2a: {  	p0 =	seq.s32 s5, $0x0;
	s5 =	sld [smem:$0x3FB2]  }
0x2b: {  	s6 =	sld [smem:$0x3FB3]  }
0x2c: {  	s7 =	sld [smem:$0x3FB4]  }
0x2d: {  	s3 =	simm.s32 $0x108;
	s8 =	sld [smem:$0x3FB5]  }
0x2e: {  	s3 =	simm.s32 @!p0 $0x1082;
	s9 =	sld [smem:$0x3FB6]  }
0x2f: {  	lr =	sadd.s32 s0, s3;
	s0 =	sld [smem:$0x3FAD]  }
0x30: {  	s3 =	sld [smem:$0x3FB0]  }
0x31: {  	[smem:$0x3FB9] =	sst s10  }
0x32: {  	s10 =	sld [smem:$0x3FB7];
	_ =	sdelay $0x3  }
0x33: {  	p0 =	seq.s32 s10, $0x1;
	s10 =	sld [smem:$0x3FB9];
	_ =	sdelay $0x3  }
0x34: {  	[smem:$0x3FB9] =	sst s10  }
0x35: {  	s10 =	sld [smem:$0x3FB8];
	_ =	sdelay $0x3  }
0x36: {  	p1 =	seq.s32 s10, $0x1;
	s10 =	sld [smem:$0x3FB9];
	_ =	sdelay $0x3  }
0x37: {  	[smem:$0x3FB9] =	sst s10  }
0x38: {  	s10 =	sld [smem:$0x3FBA]  }
0x39: {  	_ = 	snop;
	(pc) =	sbr.ind lr, $3  }
0x3a: {  	_ = 	snop  }
0x3b: {  	_ = 	snop  }
0x3c: {  	p2 =	seq.s32 s10, $0x1;
	s10 =	sld [smem:$0x3FB9]  }
0x3d: {  	_ =	shalt  }
0x3e: {  	_ =	shalt  }
0x3f: {  	_ =	shalt  }
0x40: {  	_ =	shalt  }
0x41: {  	_ =	shalt  }
0x42: {  	_ =	shalt  }
0x43: {  	_ =	shalt  }
0x44: {  	_ =	shalt  }
0x45: {  	_ =	shalt  }
0x46: {  	_ =	shalt  }
0x47: {  	_ =	shalt  }
0x48: {  	_ =	shalt  }
0x49: {  	_ =	shalt  }
0x4a: {  	_ =	shalt  }
0x4b: {  	_ =	shalt  }
0x4c: {  	_ =	shalt  }
0x4d: {  	_ =	shalt  }
0x4e: {  	_ =	shalt  }
0x4f: {  	_ =	shalt  }
0x50: {  	_ =	shalt  }
0x51: {  	_ =	shalt  }
0x52: {  	_ =	shalt  }
0x53: {  	_ =	shalt  }
0x54: {  	_ =	shalt  }
0x55: {  	_ =	shalt  }
0x56: {  	_ =	shalt  }
0x57: {  	_ =	shalt  }
0x58: {  	_ =	shalt  }
0x59: {  	_ =	shalt  }
0x5a: {  	_ =	shalt  }
0x5b: {  	_ =	shalt  }
0x5c: {  	_ =	shalt  }
0x5d: {  	_ =	shalt  }
0x5e: {  	_ =	shalt  }
0x5f: {  	_ =	shalt  }
0x60: {  	_ =	shalt  }
0x61: {  	_ =	shalt  }
0x62: {  	_ =	shalt  }
0x63: {  	_ =	shalt  }
0x64: {  	_ =	shalt  }
0x65: {  	_ =	shalt  }
0x66: {  	_ =	shalt  }
0x67: {  	_ =	shalt  }
0x68: {  	_ =	shalt  }
0x69: {  	_ =	shalt  }
0x6a: {  	_ =	shalt  }
0x6b: {  	_ =	shalt  }
0x6c: {  	_ =	shalt  }
0x6d: {  	_ =	shalt  }
0x6e: {  	_ =	shalt  }
0x6f: {  	_ =	shalt  }
0x70: {  	_ =	shalt  }
0x71: {  	_ =	shalt  }
0x72: {  	_ =	shalt  }
0x73: {  	_ =	shalt  }
0x74: {  	_ =	shalt  }
0x75: {  	_ =	shalt  }
0x76: {  	_ =	shalt  }
0x77: {  	_ =	shalt  }
0x78: {  	_ =	shalt  }
0x79: {  	_ =	shalt  }
0x7a: {  	_ =	shalt  }
0x7b: {  	_ =	shalt  }
0x7c: {  	_ =	shalt  }
0x7d: {  	_ =	shalt  }
0x7e: {  	_ =	shalt  }
0x7f: {  	_ =	shalt  }
0x80: {  	_ =	shalt  }
0x81: {  	_ =	shalt  }
0x82: {  	_ =	shalt  }
0x83: {  	_ =	shalt  }
0x84: {  	_ =	shalt  }
0x85: {  	_ =	shalt  }
0x86: {  	_ =	shalt  }
0x87: {  	_ =	shalt  }
.Lfunc_end0:
.L_simem_size_0:
called_computation_lowered:
.L_overlay_start_0:
0x88: {  	s2 =	sld [smem:$0x3FD9]  }
0x89: {  	s3 =	sld [smem:$0x3FFE];
	_ =	sdelay $0x1  }
0x8a: {  	s1 =	srdreg.scid  }
0x8b: {  	s0 =	sand.u32 $0x1, s1  }
0x8c: {  	s18 =	sshll.u32 s0, $0xA;
	s2 =	sadd.s32 s3, s2  }
0x8d: {  	s2 =	sadd.s32 s2, s18  }
0x8e: {  	[smem:$0x3FC5] =	sst s2  }
0x8f: {  	_ = 	snop  }
0x90: {  	s2 =	sld [smem:$0x3FC8]  }
0x91: {  	s19 =	sld [smem:$0x3FC7]  }
0x92: {  	s4 =	sld [smem:$0x3FD0];
	(tm) =	ssettm $0x1  }
0x93: {  	s5 =	sld [smem:$0x3FFB];
	_ =	sdelay $0x3  }
0x94: {  	_ =	strace s5  }
0x95: {  	s5 =	sld [smem:$0x3FFC];
	_ =	sdelay $0x3  }
0x96: {  	_ =	strace s5  }
0x97: {  	s5 =	sld [smem:$0x3FFD];
	_ =	sdelay $0x3  }
0x98: {  	_ =	strace s5  }
0x99: {  	_ =	strace $0x8FFFFFFF  }
0x9a: {  	s20 =	sld [smem:$0x3FDB];
	_ =	sdelay $0x1  }
0x9b: {  	s6 =	simm.s32 $_scs_section_size  }
0x9c: {  	s7 =	simm.s32 $_size__tile_overlayer_lowered;
	s8 =	simm.s32 $_tile_overlayer_lowered  }
0x9d: {  	s23 =	simm.s32 $0x1BFF;
	s22 =	sshll.u32 s8, $0x1;
	s5 =	sadd.s32 s6, s20  }
0x9e: {  	s9 =	simm.s32 $0x0;
	s21 =	sshll.u32 s7, $0x1;
	s7 =	sadd.s32 s22, s5  }
0x9f: {  	[timem:s9], [sflag:s23] =	dma.local [hbm:s7], s21  }
0xa0: {  	_ =	swait.ge [sflag:s23], s21  }
0xa1: {  	s6 =	ssub.s32 $0x0, s21;
	[sflag:s23] =	ssyncset.done $0x0  }
0xa2: {  	[sflag:s23] =	ssyncadd.s32 s6;
	_ =	sdelay $0x1  }
0xa3: {  	s24 =	simm.s32 $0x1B8B  }
0xa4: {  	_ =	swait.ge [sflag:s24], $0x1  }
0xa5: {  	[sflag:s24] =	ssyncset.done $0x0  }
0xa6: {  	s25 =	simm.s32 $0x1B8E;
	[sflag:s24] =	ssyncadd.s32 $0xFFFFFFFF  }
0xa7: {  	s26 =	simm.s32 $execute0_lowered;
	[smem:$0x3FD2] =	sst s25  }
0xa8: {  	s6 =	sshll.u32 s26, $0x1;
	_ =	strace $0x80000046;
	[dreg:$0x1] =	wrdreg $0xFFFFFFFF  }
0xa9: {  	s28 =	simm.s32 $_size_execute0_lowered;
	s5 =	sadd.s32 s5, s6;
	[dreg:$0x0] =	wrdreg $0x0  }
0xaa: {  	s6 =	sshll.u32 s28, $0x1;
	[dreg:$0x2] =	wrdreg s5  }
0xab: {  	[dreg:$0x3] =	wrdreg s6  }
0xac: {  	[dreg:$0x4] =	wrdreg $0xC0  }
0xad: {  	_ =	task [dreg:s9], $0x5FFFF  }
0xae: {  	[dreg:$0x1] =	wrdreg $0xFFFFFFFF  }
0xaf: {  	[dreg:$0x0] =	wrdreg $0x60  }
0xb0: {  	[dreg:$0x2] =	wrdreg s2  }
0xb1: {  	[dreg:$0x3] =	wrdreg s19  }
0xb2: {  	[dreg:$0x4] =	wrdreg s4  }
0xb3: {  	[dreg:$0x5] =	wrdreg $0x9  }
0xb4: {  	_ =	task.clear_ibuf [dreg:s9], $0x6FFFF;
	_ =	strace $0x90000046  }
0xb5: {  	s29 =	simm.s32 $0x9;
	_ =	strace $0x80000048  }
0xb6: {  	_ =	swait.ge [sflag:s29], $0x1  }
0xb7: {  	[sflag:s29] =	ssyncadd.s32 $0xFFFFFFFF  }
0xb8: {  	_ =	strace $0x90000048  }
0xb9: {  	_ =	sfence  }
0xba: {  	s30 =	sld [smem:$0x0];
	_ =	sdelay $0x2  }
0xbb: {  	s31 =	sshll.u32 s1, $0xD;
	s1 =	sshrl.u32 s1, $0x2  }
0xbc: {  	s3 =	sand.u32 $0x4000, s31;
	s1 =	sadd.s32 s1, s30  }
0xbd: {  	s0 =	sor.u32 s3, s0;
	s1 =	sshll.u32 s1, $0x11  }
0xbe: {  	s0 =	sor.u32 s1, s0  }
0xbf: {  	s0 =	sadd.s32 $0x8F2B, s0  }
0xc0: {  	[sflag:s0] =	ssyncadd.remote.s32 $0x1  }
0xc1: {  	_ =	sfence.sel $0xFFFF  }
0xc2: {  	[dreg:$0x0] =	wrdreg $0xFFFFFFFF;
	(pc) =	sbr.abs _section_cstart, $3  }
0xc3: {  	[dreg:$0x1] =	wrdreg $0xFFFFFFFF  }
0xc4: {  	_ =	task.clear_ibuf [dreg:s9], $0x2FFFF;
	_ =	strace $0x9FFFFFFF  }
0xc5: {  	(tm) =	ssettm $0x7FFFFFFF  }
tec
execute0_lowered:
.L_overlay_start_1:
0x0: {  	(tag) =	ssettag $0x1  }
0x1: {  	s2 =	rddreg [dreg:$0x0]  }
0x2: {  	s4 =	rddreg [dreg:$0x1];
	s0 =	srdreg.scid  }
0x3: {  	s7 =	rddreg [dreg:$0x2];
	s1 =	stileid.u32;
	s3 =	simm.s32 $0x0  }
0x4: {  	s10 =	simm.s32 $0x80;
	s11 =	simm.s32 $0x880;
	s12 =	simm.s32 $0x1080  }
0x5: {  	s13 =	simm.s32 $0x1880;
	s14 =	simm.s32 $0x2080;
	s15 =	simm.s32 $0x2880  }
0x6: {  	s16 =	simm.s32 $0x3080;
	s17 =	simm.s32 $0x3880;
	s18 =	simm.s32 $0x4080  }
0x7: {  	s19 =	simm.s32 $0x4880;
	s20 =	simm.s32 $0x5080;
	s21 =	simm.s32 $0x5880  }
0x8: {  	s22 =	simm.s32 $0x1;
	s5 =	sand.u32 $0x1, s0;
	s0 =	rddreg [dreg:$0x3]  }
0x9: {  	s6 =	sshll.u32 s1, $0x3;
	s8 =	sshll.u32 s5, $0x2;
	s5 =	ssub.s32 $0x2, s5  }
0xa: {  	[smem:$0x7FF] =	sst s3;
	s6 =	sor.u32 s8, s6;
	s31 =	sshrl.u32 s5, $0x1  }
0xb: {  	v2 =	vlaneseq.u32;
	_ =	strace $0x80000047;
	s9 =	smul.u32 $0x300, s6;
	s8 =	ssub.s32 s5, s31  }
0xc: {  	vm0 =	vmmov $0xffff;
	v1 =	vshrl.u32 v2, $0x3;
	s4 =	sadd.s32 s4, s6;
	s5 =	sadd.s32 $0x100, s2;
	s6 =	sadd.s32 $0x200, s2  }
0xd: {  	v0 =	vand.u32 $0x7, v2;
	v2 =	vor.u32 $0x8, v2;
	v1 =	vmul.u32 $0x8, v1;
	s8 =	smax.u32 s8, $0x1;
	s7 =	sadd.s32 s7, s9;
	s9 =	simm.s32 $0x2  }
.LBB2_1:
0xe: {  	[tilespmem:s3], [sflag:$0x2] =	stream.linear.gather [hbm4b:s4+s3], $0x20, $0x38;
	[tilespmem:$0x6080] =	vst v63  }
0xf: {  	_ =	swait.ge [sflag:s9], $0x20  }
0x10: {  	[sflag:s9] =	ssyncset.done $0x0  }
0x11: {  	[sflag:s9] =	ssyncadd.s32 $0xFFFFFFE0  }
0x12: {  	v3 =	vld [tilespmem:$0x0];
	_ =	sdelay $0x4  }
0x13: {  	v4 =	vshrl.u32 v3, $0x3  }
0x14: {  	v4 =	vmul.u32 $0x30, v4  }
0x15: {  	v3 =	vand.u32 $0x7, v3  }
0x16: {  	v3 =	vor.u32 v3, v4  }
0x17: {  	v4 =	vperm.xlane v3, v0;
	_ =	sdelay $0x1  }
0x18: {  	v4 =	vadd.s32 v1, v4;
	_ =	sdelay $0x3  }
0x19: {  	v3 =	vperm.xlane v3, v2  }
0x1a: {  	[tilespmem:s10], [sflag:$0x1] =	stream.indirect_vreg.gather [hbm4b:s2+s3], $0x80, v4, vm0, $0xb8;
	[tilespmem:$0x6080] =	vst v63  }
0x1b: {  	v3 =	vadd.s32 v1, v3  }
0x1c: {  	[tilespmem:s11], [sflag:$0x1] =	stream.indirect_vreg.gather [hbm4b:s5+s3], $0x80, v4, vm0, $0xb8;
	[tilespmem:$0x6080] =	vst v63  }
0x1d: {  	_ = 	snop  }
0x1e: {  	[tilespmem:s12], [sflag:$0x1] =	stream.indirect_vreg.gather [hbm4b:s6+s3], $0x80, v4, vm0, $0xb8;
	[tilespmem:$0x6080] =	vst v63  }
0x1f: {  	_ = 	snop  }
0x20: {  	[tilespmem:s13], [sflag:$0x1] =	stream.indirect_vreg.gather [hbm4b:s2+s3], $0x80, v3, vm0, $0xb8;
	[tilespmem:$0x6080] =	vst v63  }
0x21: {  	_ = 	snop  }
0x22: {  	[tilespmem:s14], [sflag:$0x1] =	stream.indirect_vreg.gather [hbm4b:s5+s3], $0x80, v3, vm0, $0xb8;
	[tilespmem:$0x6080] =	vst v63  }
0x23: {  	_ = 	snop  }
0x24: {  	[tilespmem:s15], [sflag:$0x1] =	stream.indirect_vreg.gather [hbm4b:s6+s3], $0x80, v3, vm0, $0xb8;
	[tilespmem:$0x6080] =	vst v63  }
0x25: {  	v3 =	vld [tilespmem:$0x10];
	_ =	sdelay $0x4  }
0x26: {  	v63 =	vshrl.u32 v3, $0x3  }
0x27: {  	v4 =	vmul.u32 $0x30, v63  }
0x28: {  	v3 =	vand.u32 $0x7, v3  }
0x29: {  	v3 =	vor.u32 v3, v4  }
0x2a: {  	v4 =	vperm.xlane v3, v0;
	_ =	sdelay $0x1  }
0x2b: {  	v4 =	vadd.s32 v1, v4;
	_ =	sdelay $0x3  }
0x2c: {  	v3 =	vperm.xlane v3, v2  }
0x2d: {  	[tilespmem:s16], [sflag:$0x1] =	stream.indirect_vreg.gather [hbm4b:s2+s3], $0x80, v4, vm0, $0xb8;
	[tilespmem:$0x6080] =	vst v63  }
0x2e: {  	v3 =	vadd.s32 v1, v3  }
0x2f: {  	[tilespmem:s17], [sflag:$0x1] =	stream.indirect_vreg.gather [hbm4b:s5+s3], $0x80, v4, vm0, $0xb8;
	[tilespmem:$0x6080] =	vst v63  }
0x30: {  	_ = 	snop  }
0x31: {  	[tilespmem:s18], [sflag:$0x1] =	stream.indirect_vreg.gather [hbm4b:s6+s3], $0x80, v4, vm0, $0xb8;
	[tilespmem:$0x6080] =	vst v63  }
0x32: {  	_ = 	snop  }
0x33: {  	[tilespmem:s19], [sflag:$0x1] =	stream.indirect_vreg.gather [hbm4b:s2+s3], $0x80, v3, vm0, $0xb8;
	[tilespmem:$0x6080] =	vst v63  }
0x34: {  	_ = 	snop  }
0x35: {  	[tilespmem:s20], [sflag:$0x1] =	stream.indirect_vreg.gather [hbm4b:s5+s3], $0x80, v3, vm0, $0xb8;
	[tilespmem:$0x6080] =	vst v63  }
0x36: {  	_ = 	snop  }
0x37: {  	[tilespmem:s21], [sflag:$0x1] =	stream.indirect_vreg.gather [hbm4b:s6+s3], $0x80, v3, vm0, $0xb8;
	[tilespmem:$0x6080] =	vst v63  }
0x38: {  	_ =	swait.ge [sflag:s22], $0x6000  }
0x39: {  	p0 =	sne.s32 s8, $0x1;
	[sflag:s22] =	ssyncset.done $0x0  }
.Ltmp0:
0x3a: {  	[sflag:s22] =	ssyncadd.s32 $0xFFFFA000;
	(pc) =	sbr.rel @p0 .LBB2_1-.Ltmp0, $4  }
0x3b: {  	[hbm4b:s7+s3] =	stream.linear.scatter [tilespmem:s10], [sflag:$0x2], $0x6000, $0x38;
	[tilespmem:$0x6080] =	vst v63  }
0x3c: {  	_ =	swait.ge [sflag:s9], $0x6000  }
0x3d: {  	[sflag:s9] =	ssyncset.done $0x0  }
0x3e: {  	s8 =	sadd.s32 $0xFFFFFFFF, s8;
	[sflag:s9] =	ssyncadd.s32 $0xFFFFA000  }
0x3f: {  	_ =	sfence.sel $0x180000  }
0x40: {  	[bflag:$0x0] =	sbarrier.arrive $0xFFFF  }
0x41: {  	p0 =	sne.s32 s1, $0x0;
	_ =	strace $0x90000047  }
0x42: {  	s0 =	sadd.s32 @!p0 $0x100000, s0;
	[bflag:$0x2] =	sbarrier.arrive $0xFFFF  }
0x43: {  	[sflag:s0] =	ssyncadd.tile.s32 @!p0 $0x1;
	_ =	shalt  }
.Lfunc_end2:
_tile_overlayer_lowered:
.L_overlay_start_2:
0x44: {  	(tag) =	ssettag $0x2  }
0x45: {  	s0 =	rddreg [dreg:$0x0];
	s2 =	stileid.u32  }
0x46: {  	s1 =	rddreg [dreg:$0x1];
	p0 =	sne.s32 s2, $0x0  }
0x47: {  	s3 =	rddreg [dreg:$0x2];
	[bflag:$0x3] =	sbarrier.arrive $0xFFFF;
	s2 =	simm.s32 @!p0 $0x1C02  }
0x48: {  	[timem:s3], [sflag:s2] =	dma.local @!p0 [hbm:s0], s1  }
0x49: {  	s0 =	simm.s32 @!p0 $0x2  }
0x4a: {  	_ =	swait.ge @!p0 [sflag:s0], s1  }
0x4b: {  	s1 =	ssub.s32 @!p0 $0x0, s1;
	[sflag:s0] =	ssyncset.done @!p0 $0x0  }
0x4c: {  	[sflag:s0] =	ssyncadd.s32 @!p0 s1  }
0x4d: {  	[bflag:$0x3] =	sbarrier.arrive $0xFFFF  }
0x4e: {  	_ =	shalt  }

</sc_bundles>
